<compile_context>
chip_gen: v7x
topology: tpu7x:2x2x1
jax: 0.10.2.dev20260603
libtpu: 0.0.44.dev20260713+nightly
codegen_flags: <defaults>
</compile_context>

<pallas_src>
import jax
import jax.numpy as jnp
from jax import lax
from jax.experimental import pallas as pl
from jax.experimental.pallas import tpu as pltpu
from jax.experimental.pallas import tpu_sc as plsc

N = 10000
NFEAT = 128
NHID = 128
NCLASS = 64
B = 1024
NBLK = 25
ROWS_A = N // NBLK
NC = 2
NS = 16
NW = NC * NS
SCV = 512
TEX = 2 * B - SCV
RPW = SCV // NW
ROWS_B = 256
NSTEPS_B = (2 * B) // ROWS_B


def _kernel_a(su_ref, pu_ref, bnd_ref, x_ref, w1_ref, b1_ref, w2_ref,
              adj_ref, g_ref, urows_ref, y1_ref, sem):
    i = pl.program_id(0)
    lo = bnd_ref[i]
    hi = bnd_ref[i + 1]

    def issue(j, c):
        src = adj_ref.at[pl.ds(su_ref[j] - i * ROWS_A, 1)]
        dst = urows_ref.at[pl.ds(pu_ref[j], 1)]
        pltpu.make_async_copy(src, dst, sem).start()
        return c

    lax.fori_loop(lo, hi, issue, 0)

    @pl.when(i == 0)
    def _():
        y1_ref[...] = jnp.dot(x_ref[...], w1_ref[...],
                              preferred_element_type=jnp.float32)

    h = jnp.dot(adj_ref[...], y1_ref[...], preferred_element_type=jnp.float32)
    h = jnp.maximum(h + b1_ref[...], 0.0)
    g_ref[...] = jnp.dot(h, w2_ref[...], preferred_element_type=jnp.float32)

    def drain(j, c):
        pltpu.make_async_copy(adj_ref.at[pl.ds(0, 1)],
                              urows_ref.at[pl.ds(0, 1)], sem).wait()
        return c

    lax.fori_loop(lo, hi, drain, 0)


def _sc_gather(adj_hbm, v_hbm, out_hbm, idx_v,
               buf0, buf1, buf2, buf3,
               gs0, gs1, gs2, gs3, ss0, ss1, ss2, ss3):
    wid = lax.axis_index("s") * NC + lax.axis_index("c")
    base = wid * RPW
    pltpu.sync_copy(v_hbm.at[pl.ds(wid, 1)], idx_v)
    bufs = (buf0, buf1, buf2, buf3)
    gsems = (gs0, gs1, gs2, gs3)
    ssems = (ss0, ss1, ss2, ss3)
    idx_vecs = [idx_v[0, pl.ds(16 * k, 16)] for k in range(RPW // 16)]

    def row_idx(r):
        return idx_vecs[r // 16][r % 16]

    def gather(r):
        return pltpu.async_copy(
            adj_hbm.at[pl.ds(row_idx(r), 1)], bufs[r % 4], gsems[r % 4])

    gh = [None] * RPW
    sh = [None] * RPW
    gh[0] = gather(0)
    gh[1] = gather(1)
    for r in range(RPW):
        gh[r].wait()
        sh[r] = pltpu.async_copy(
            bufs[r % 4], out_hbm.at[pl.ds(base + r, 1)], ssems[r % 4])
        if r + 2 < RPW:
            if r - 2 >= 0:
                sh[r - 2].wait()
            gh[r + 2] = gather(r + 2)
    sh[RPW - 2].wait()
    sh[RPW - 1].wait()


def _kernel_b(trows_ref, scrows_ref, g_ref, b2_ref, we_ref, p_ref, z_ref):
    i = pl.program_id(0)
    ntc = TEX // ROWS_B
    tc_off = jnp.where(i < B // ROWS_B, i, i + SCV // ROWS_B)

    @pl.when(i < ntc)
    def _():
        z = jnp.dot(trows_ref[...], g_ref[...],
                    preferred_element_type=jnp.float32)
        z_ref[pl.ds(tc_off * ROWS_B, ROWS_B), :] = z + b2_ref[...]

    @pl.when(jnp.logical_and(i >= ntc, i < NSTEPS_B))
    def _():
        z = jnp.dot(scrows_ref[...], g_ref[...],
                    preferred_element_type=jnp.float32)
        z_ref[pl.ds((i - ntc + B // ROWS_B) * ROWS_B, ROWS_B), :] = \
            z + b2_ref[...]

    @pl.when(i == NSTEPS_B)
    def _():
        zu = z_ref[0:B, :]
        zv = z_ref[B:2 * B, :]
        t = jax.lax.dot_general(zu, we_ref[...], (((1,), (1,)), ((), ())),
                                preferred_element_type=jnp.float32)
        s = jax.lax.dot_general(t, zv, (((1,), (1,)), ((), ())),
                                preferred_element_type=jnp.float32)
        p_ref[...] = jax.nn.sigmoid(s)


def kernel(u, v, x, adj, W1, b1, W2, b2, We):
    u = u.astype(jnp.int32)
    v = v.astype(jnp.int32)
    w = jnp.concatenate([u, v[SCV:]], axis=0)
    pw = jnp.argsort(w).astype(jnp.int32)
    sw = w[pw]
    bnd = jnp.searchsorted(sw, jnp.arange(0, N + ROWS_A, ROWS_A,
                                          dtype=jnp.int32)).astype(jnp.int32)
    v2 = v[:SCV].reshape(NW, RPW)
    b1r = b1.reshape(1, NHID)
    b2r = b2.reshape(1, NCLASS)

    vrows = pl.kernel(
        _sc_gather,
        out_type=jax.ShapeDtypeStruct((SCV, N), jnp.float32),
        mesh=plsc.VectorSubcoreMesh(core_axis_name="c", subcore_axis_name="s"),
        scratch_types=[
            pltpu.VMEM((1, RPW), jnp.int32),
            pltpu.VMEM((1, N), jnp.float32),
            pltpu.VMEM((1, N), jnp.float32),
            pltpu.VMEM((1, N), jnp.float32),
            pltpu.VMEM((1, N), jnp.float32),
            pltpu.SemaphoreType.DMA,
            pltpu.SemaphoreType.DMA,
            pltpu.SemaphoreType.DMA,
            pltpu.SemaphoreType.DMA,
            pltpu.SemaphoreType.DMA,
            pltpu.SemaphoreType.DMA,
            pltpu.SemaphoreType.DMA,
            pltpu.SemaphoreType.DMA,
        ],
    )(adj, v2)

    g, urows = pl.pallas_call(
        _kernel_a,
        grid_spec=pltpu.PrefetchScalarGridSpec(
            num_scalar_prefetch=3,
            grid=(NBLK,),
            in_specs=[
                pl.BlockSpec((N, NFEAT), lambda i, *_: (0, 0)),
                pl.BlockSpec((NFEAT, NHID), lambda i, *_: (0, 0)),
                pl.BlockSpec((1, NHID), lambda i, *_: (0, 0)),
                pl.BlockSpec((NHID, NCLASS), lambda i, *_: (0, 0)),
                pl.BlockSpec((ROWS_A, N), lambda i, *_: (i, 0)),
            ],
            out_specs=[
                pl.BlockSpec((ROWS_A, NCLASS), lambda i, *_: (i, 0)),
                pl.BlockSpec(memory_space=pl.ANY),
            ],
            scratch_shapes=[
                pltpu.VMEM((N, NHID), jnp.float32),
                pltpu.SemaphoreType.DMA,
            ],
        ),
        out_shape=[
            jax.ShapeDtypeStruct((N, NCLASS), jnp.float32),
            jax.ShapeDtypeStruct((TEX, N), jnp.float32),
        ],
        compiler_params=pltpu.CompilerParams(
            dimension_semantics=("arbitrary",),
            vmem_limit_bytes=60 * 1024 * 1024,
        ),
    )(sw, pw, bnd, x, W1, b1r, W2, adj)

    p = pl.pallas_call(
        _kernel_b,
        grid=(NSTEPS_B + 1,),
        in_specs=[
            pl.BlockSpec((ROWS_B, N),
                         lambda i: (jnp.minimum(i, TEX // ROWS_B - 1), 0)),
            pl.BlockSpec((ROWS_B, N),
                         lambda i: (jnp.clip(i - TEX // ROWS_B, 0,
                                             SCV // ROWS_B - 1), 0)),
            pl.BlockSpec((N, NCLASS), lambda i: (0, 0)),
            pl.BlockSpec((1, NCLASS), lambda i: (0, 0)),
            pl.BlockSpec((NCLASS, NCLASS), lambda i: (0, 0)),
        ],
        out_specs=pl.BlockSpec((B, B), lambda i: (0, 0)),
        out_shape=jax.ShapeDtypeStruct((B, B), jnp.float32),
        scratch_shapes=[pltpu.VMEM((2 * B, NCLASS), jnp.float32)],
        compiler_params=pltpu.CompilerParams(
            dimension_semantics=("arbitrary",),
            vmem_limit_bytes=60 * 1024 * 1024,
        ),
    )(urows, vrows, g, b2r, We)

    return p

# --- scband reference (transcript-rebuilt; emitter-appended) ---
"""Pipeline reference for scband-link-pred-23106924052715 (READ-ONLY COPY).

The authoritative reference and input builder live on the scoring server;
editing this copy changes nothing except your own understanding.
"""

import jax, jax.numpy as jnp
import numpy as np

N = 10000
NFEAT = 128
NHID = 128
NCLASS = 64
B = 1024


def setup_inputs(seed: int = 0) -> dict:
    key = jax.random.key(seed)
    ks = jax.random.split(key, 9)
    x = jax.random.normal(ks[0], (N, NFEAT), dtype=jnp.float32)
    # dense (row-stochastic-ish) adjacency so activations stay numerically sane
    adj = jax.random.uniform(ks[1], (N, N), dtype=jnp.float32) / N
    u = jax.random.randint(ks[2], (B,), 0, N, dtype=jnp.int64)
    v = jax.random.randint(ks[3], (B,), 0, N, dtype=jnp.int64)
    W1 = jax.random.normal(ks[4], (NFEAT, NHID), dtype=jnp.float32) * (1.0 / np.sqrt(NFEAT))
    b1 = jnp.zeros((NHID,), dtype=jnp.float32)
    W2 = jax.random.normal(ks[5], (NHID, NCLASS), dtype=jnp.float32) * (1.0 / np.sqrt(NHID))
    b2 = jnp.zeros((NCLASS,), dtype=jnp.float32)
    We = jax.random.normal(ks[6], (NCLASS, NCLASS), dtype=jnp.float32) * (1.0 / np.sqrt(NCLASS))
    return {"u": u, "v": v, "x": x, "adj": adj, "W1": W1, "b1": b1, "W2": W2, "b2": b2, "We": We}


def reference(u, v, x, adj, W1, b1, W2, b2, We):
    # GraphConvolution 1: adj @ (x @ W1) + b1, then ReLU (activation=True)
    h = jax.nn.relu(adj @ (x @ W1) + b1)
    # dropout is identity in eval mode (training=False)
    # GraphConvolution 2: adj @ (h @ W2) + b2
    z = adj @ (h @ W2) + b2
    # link scores: sigmoid( w_edge(z[u]) @ z[v]^T ); nn.Linear applies x @ We.T
    zu = jnp.take(z, u, axis=0)
    zv = jnp.take(z, v, axis=0)
    p_uv = jax.nn.sigmoid((zu @ We.T) @ zv.T)
    return p_uv

if __name__ == "__main__":
    import jax
    _d = setup_inputs()
    print(jax.jit(kernel)(*tuple(_d.values())))

</pallas_src>

<mosaic_0001>
#map = affine_map<(d0, d1) -> (0, 0)>
module attributes {stable_mosaic.version = 14 : i64} {
  func.func @_sc_gather(%arg0: i32, %arg1: i32, %arg2: memref<10000x10000xf32, #tpu.memory_space<hbm>>, %arg3: memref<32x16xi32, #tpu.memory_space<hbm>>, %arg4: memref<512x10000xf32, #tpu.memory_space<hbm>>, %arg5: memref<1x16xi32, #tpu.memory_space<vmem>>, %arg6: memref<1x10000xf32, #tpu.memory_space<vmem>>, %arg7: memref<1x10000xf32, #tpu.memory_space<vmem>>, %arg8: memref<1x10000xf32, #tpu.memory_space<vmem>>, %arg9: memref<1x10000xf32, #tpu.memory_space<vmem>>, %arg10: memref<!tpu.dma_semaphore, #tpu.memory_space<semaphore_mem>>, %arg11: memref<!tpu.dma_semaphore, #tpu.memory_space<semaphore_mem>>, %arg12: memref<!tpu.dma_semaphore, #tpu.memory_space<semaphore_mem>>, %arg13: memref<!tpu.dma_semaphore, #tpu.memory_space<semaphore_mem>>, %arg14: memref<!tpu.dma_semaphore, #tpu.memory_space<semaphore_mem>>, %arg15: memref<!tpu.dma_semaphore, #tpu.memory_space<semaphore_mem>>, %arg16: memref<!tpu.dma_semaphore, #tpu.memory_space<semaphore_mem>>, %arg17: memref<!tpu.dma_semaphore, #tpu.memory_space<semaphore_mem>>) attributes {dimension_semantics = [#tpu.dimension_semantics<core_parallel>, #tpu.dimension_semantics<subcore_parallel>], iteration_bounds = array<i64: 2, 16>, scalar_prefetch = 0 : i64, scratch_operands = 13 : i64, tpu.core_type = #tpu.core_type<sc_vector_subcore>, window_params = [{transform_indices = #map}, {transform_indices = #map}, {transform_indices = #map}]} {
    %mul3A = arith.constant 2 : i32
    %mul3A_0 = arith.muli %arg1, %mul3A : i32
    %add3A = arith.addi %mul3A_0, %arg0 : i32
    %mul3A_1 = arith.constant 16 : i32
    %mul3A_2 = arith.muli %add3A, %mul3A_1 : i32
    "tpu.region"() ({
      %run_scoped3A = tpu.sem_alloc : memref<!tpu.dma_semaphore, #tpu.memory_space<semaphore_mem>>
      %dma_start3A_315 = arith.constant 0 : i32
      %dma_start3A_316 = tpu.memref_slice %arg3[%add3A, %dma_start3A_315] : memref<32x16xi32, #tpu.memory_space<hbm>> -> memref<1x16xi32, #tpu.memory_space<hbm>>
      %dma_start3A_317 = arith.constant 0 : i32
      %dma_start3A_318 = tpu.memref_slice %arg3[%add3A, %dma_start3A_317] : memref<32x16xi32, #tpu.memory_space<hbm>> -> memref<1x16xi32, #tpu.memory_space<hbm>>
      tpu.enqueue_dma source(%dma_start3A_318 : memref<1x16xi32, #tpu.memory_space<hbm>>) target(%arg5 : memref<1x16xi32, #tpu.memory_space<vmem>>) target_semaphore(%run_scoped3A : memref<!tpu.dma_semaphore, #tpu.memory_space<semaphore_mem>>)
      %dma_wait3A_319 = arith.constant 0 : i32
      %dma_wait3A_320 = tpu.memref_slice %arg3[%add3A, %dma_wait3A_319] : memref<32x16xi32, #tpu.memory_space<hbm>> -> memref<1x16xi32, #tpu.memory_space<hbm>>
      %dma_wait3A_321 = arith.constant 0 : i32
      %dma_wait3A_322 = tpu.memref_slice %arg3[%add3A, %dma_wait3A_321] : memref<32x16xi32, #tpu.memory_space<hbm>> -> memref<1x16xi32, #tpu.memory_space<hbm>>
      tpu.wait_dma2 semaphore(%run_scoped3A : memref<!tpu.dma_semaphore, #tpu.memory_space<semaphore_mem>>) src(%dma_wait3A_322 : memref<1x16xi32, #tpu.memory_space<hbm>>) dst(%arg5 : memref<1x16xi32, #tpu.memory_space<vmem>>)
      tpu.yield
    }) : () -> ()
    %get3A = arith.constant 0 : i32
    %get3A_3 = arith.index_cast %get3A : i32 to index
    %get3A_4 = arith.constant 0 : index
    %get3A_5 = tpu.vector_load %arg5[%get3A_3, %get3A_4] {strides = array<i32>} : memref<1x16xi32, #tpu.memory_space<vmem>>, vector<1x16xi32>,
    %get3A_6 = vector.shape_cast %get3A_5 : vector<1x16xi32> to vector<16xi32>
    %slice3A = vector.extract_strided_slice %get3A_6 {offsets = [0], sizes = [1], strides = [1]} : vector<16xi32> to vector<1xi32>
    %squeeze3A = vector.extract %slice3A[0] : i32 from vector<1xi32>
    %dma_start3A = arith.constant 0 : i32
    %dma_start3A_7 = tpu.memref_slice %arg2[%squeeze3A, %dma_start3A] : memref<10000x10000xf32, #tpu.memory_space<hbm>> -> memref<1x10000xf32, #tpu.memory_space<hbm>>
    %dma_start3A_8 = arith.constant 0 : i32
    %dma_start3A_9 = tpu.memref_slice %arg2[%squeeze3A, %dma_start3A_8] : memref<10000x10000xf32, #tpu.memory_space<hbm>> -> memref<1x10000xf32, #tpu.memory_space<hbm>>
    tpu.enqueue_dma source(%dma_start3A_9 : memref<1x10000xf32, #tpu.memory_space<hbm>>) target(%arg6 : memref<1x10000xf32, #tpu.memory_space<vmem>>) target_semaphore(%arg10 : memref<!tpu.dma_semaphore, #tpu.memory_space<semaphore_mem>>)
    %slice3A_10 = vector.extract_strided_slice %get3A_6 {offsets = [1], sizes = [1], strides = [1]} : vector<16xi32> to vector<1xi32>
    %squeeze3A_11 = vector.extract %slice3A_10[0] : i32 from vector<1xi32>
    %dma_start3A_12 = arith.constant 0 : i32
    %dma_start3A_13 = tpu.memref_slice %arg2[%squeeze3A_11, %dma_start3A_12] : memref<10000x10000xf32, #tpu.memory_space<hbm>> -> memref<1x10000xf32, #tpu.memory_space<hbm>>
    %dma_start3A_14 = arith.constant 0 : i32
    %dma_start3A_15 = tpu.memref_slice %arg2[%squeeze3A_11, %dma_start3A_14] : memref<10000x10000xf32, #tpu.memory_space<hbm>> -> memref<1x10000xf32, #tpu.memory_space<hbm>>
    tpu.enqueue_dma source(%dma_start3A_15 : memref<1x10000xf32, #tpu.memory_space<hbm>>) target(%arg7 : memref<1x10000xf32, #tpu.memory_space<vmem>>) target_semaphore(%arg11 : memref<!tpu.dma_semaphore, #tpu.memory_space<semaphore_mem>>)
    %dma_wait3A = arith.constant 0 : i32
    %dma_wait3A_16 = tpu.memref_slice %arg2[%squeeze3A, %dma_wait3A] : memref<10000x10000xf32, #tpu.memory_space<hbm>> -> memref<1x10000xf32, #tpu.memory_space<hbm>>
    %dma_wait3A_17 = arith.constant 0 : i32
    %dma_wait3A_18 = tpu.memref_slice %arg2[%squeeze3A, %dma_wait3A_17] : memref<10000x10000xf32, #tpu.memory_space<hbm>> -> memref<1x10000xf32, #tpu.memory_space<hbm>>
    tpu.wait_dma2 semaphore(%arg10 : memref<!tpu.dma_semaphore, #tpu.memory_space<semaphore_mem>>) src(%dma_wait3A_18 : memref<1x10000xf32, #tpu.memory_space<hbm>>) dst(%arg6 : memref<1x10000xf32, #tpu.memory_space<vmem>>)
    %add3A_19 = arith.constant 0 : i32
    %add3A_20 = arith.addi %mul3A_2, %add3A_19 : i32
    %dma_start3A_21 = arith.constant 0 : i32
    %dma_start3A_22 = tpu.memref_slice %arg4[%add3A_20, %dma_start3A_21] : memref<512x10000xf32, #tpu.memory_space<hbm>> -> memref<1x10000xf32, #tpu.memory_space<hbm>>
    %dma_start3A_23 = arith.constant 0 : i32
    %dma_start3A_24 = tpu.memref_slice %arg4[%add3A_20, %dma_start3A_23] : memref<512x10000xf32, #tpu.memory_space<hbm>> -> memref<1x10000xf32, #tpu.memory_space<hbm>>
    tpu.enqueue_dma source(%arg6 : memref<1x10000xf32, #tpu.memory_space<vmem>>) target(%dma_start3A_24 : memref<1x10000xf32, #tpu.memory_space<hbm>>) target_semaphore(%arg14 : memref<!tpu.dma_semaphore, #tpu.memory_space<semaphore_mem>>)
    %slice3A_25 = vector.extract_strided_slice %get3A_6 {offsets = [2], sizes = [1], strides = [1]} : vector<16xi32> to vector<1xi32>
    %squeeze3A_26 = vector.extract %slice3A_25[0] : i32 from vector<1xi32>
    %dma_start3A_27 = arith.constant 0 : i32
    %dma_start3A_28 = tpu.memref_slice %arg2[%squeeze3A_26, %dma_start3A_27] : memref<10000x10000xf32, #tpu.memory_space<hbm>> -> memref<1x10000xf32, #tpu.memory_space<hbm>>
    %dma_start3A_29 = arith.constant 0 : i32
    %dma_start3A_30 = tpu.memref_slice %arg2[%squeeze3A_26, %dma_start3A_29] : memref<10000x10000xf32, #tpu.memory_space<hbm>> -> memref<1x10000xf32, #tpu.memory_space<hbm>>
    tpu.enqueue_dma source(%dma_start3A_30 : memref<1x10000xf32, #tpu.memory_space<hbm>>) target(%arg8 : memref<1x10000xf32, #tpu.memory_space<vmem>>) target_semaphore(%arg12 : memref<!tpu.dma_semaphore, #tpu.memory_space<semaphore_mem>>)
    %dma_wait3A_31 = arith.constant 0 : i32
    %dma_wait3A_32 = tpu.memref_slice %arg2[%squeeze3A_11, %dma_wait3A_31] : memref<10000x10000xf32, #tpu.memory_space<hbm>> -> memref<1x10000xf32, #tpu.memory_space<hbm>>
    %dma_wait3A_33 = arith.constant 0 : i32
    %dma_wait3A_34 = tpu.memref_slice %arg2[%squeeze3A_11, %dma_wait3A_33] : memref<10000x10000xf32, #tpu.memory_space<hbm>> -> memref<1x10000xf32, #tpu.memory_space<hbm>>
    tpu.wait_dma2 semaphore(%arg11 : memref<!tpu.dma_semaphore, #tpu.memory_space<semaphore_mem>>) src(%dma_wait3A_34 : memref<1x10000xf32, #tpu.memory_space<hbm>>) dst(%arg7 : memref<1x10000xf32, #tpu.memory_space<vmem>>)
    %add3A_35 = arith.constant 1 : i32
    %add3A_36 = arith.addi %mul3A_2, %add3A_35 : i32
    %dma_start3A_37 = arith.constant 0 : i32
    %dma_start3A_38 = tpu.memref_slice %arg4[%add3A_36, %dma_start3A_37] : memref<512x10000xf32, #tpu.memory_space<hbm>> -> memref<1x10000xf32, #tpu.memory_space<hbm>>
    %dma_start3A_39 = arith.constant 0 : i32
    %dma_start3A_40 = tpu.memref_slice %arg4[%add3A_36, %dma_start3A_39] : memref<512x10000xf32, #tpu.memory_space<hbm>> -> memref<1x10000xf32, #tpu.memory_space<hbm>>
    tpu.enqueue_dma source(%arg7 : memref<1x10000xf32, #tpu.memory_space<vmem>>) target(%dma_start3A_40 : memref<1x10000xf32, #tpu.memory_space<hbm>>) target_semaphore(%arg15 : memref<!tpu.dma_semaphore, #tpu.memory_space<semaphore_mem>>)
    %slice3A_41 = vector.extract_strided_slice %get3A_6 {offsets = [3], sizes = [1], strides = [1]} : vector<16xi32> to vector<1xi32>
    %squeeze3A_42 = vector.extract %slice3A_41[0] : i32 from vector<1xi32>
    %dma_start3A_43 = arith.constant 0 : i32
    %dma_start3A_44 = tpu.memref_slice %arg2[%squeeze3A_42, %dma_start3A_43] : memref<10000x10000xf32, #tpu.memory_space<hbm>> -> memref<1x10000xf32, #tpu.memory_space<hbm>>
    %dma_start3A_45 = arith.constant 0 : i32
    %dma_start3A_46 = tpu.memref_slice %arg2[%squeeze3A_42, %dma_start3A_45] : memref<10000x10000xf32, #tpu.memory_space<hbm>> -> memref<1x10000xf32, #tpu.memory_space<hbm>>
    tpu.enqueue_dma source(%dma_start3A_46 : memref<1x10000xf32, #tpu.memory_space<hbm>>) target(%arg9 : memref<1x10000xf32, #tpu.memory_space<vmem>>) target_semaphore(%arg13 : memref<!tpu.dma_semaphore, #tpu.memory_space<semaphore_mem>>)
    %dma_wait3A_47 = arith.constant 0 : i32
    %dma_wait3A_48 = tpu.memref_slice %arg2[%squeeze3A_26, %dma_wait3A_47] : memref<10000x10000xf32, #tpu.memory_space<hbm>> -> memref<1x10000xf32, #tpu.memory_space<hbm>>
    %dma_wait3A_49 = arith.constant 0 : i32
    %dma_wait3A_50 = tpu.memref_slice %arg2[%squeeze3A_26, %dma_wait3A_49] : memref<10000x10000xf32, #tpu.memory_space<hbm>> -> memref<1x10000xf32, #tpu.memory_space<hbm>>
    tpu.wait_dma2 semaphore(%arg12 : memref<!tpu.dma_semaphore, #tpu.memory_space<semaphore_mem>>) src(%dma_wait3A_50 : memref<1x10000xf32, #tpu.memory_space<hbm>>) dst(%arg8 : memref<1x10000xf32, #tpu.memory_space<vmem>>)
    %add3A_51 = arith.constant 2 : i32
    %add3A_52 = arith.addi %mul3A_2, %add3A_51 : i32
    %dma_start3A_53 = arith.constant 0 : i32
    %dma_start3A_54 = tpu.memref_slice %arg4[%add3A_52, %dma_start3A_53] : memref<512x10000xf32, #tpu.memory_space<hbm>> -> memref<1x10000xf32, #tpu.memory_space<hbm>>
    %dma_start3A_55 = arith.constant 0 : i32
    %dma_start3A_56 = tpu.memref_slice %arg4[%add3A_52, %dma_start3A_55] : memref<512x10000xf32, #tpu.memory_space<hbm>> -> memref<1x10000xf32, #tpu.memory_space<hbm>>
    tpu.enqueue_dma source(%arg8 : memref<1x10000xf32, #tpu.memory_space<vmem>>) target(%dma_start3A_56 : memref<1x10000xf32, #tpu.memory_space<hbm>>) target_semaphore(%arg16 : memref<!tpu.dma_semaphore, #tpu.memory_space<semaphore_mem>>)
    %dma_wait3A_57 = arith.constant 0 : i32
    %dma_wait3A_58 = tpu.memref_slice %arg4[%add3A_20, %dma_wait3A_57] : memref<512x10000xf32, #tpu.memory_space<hbm>> -> memref<1x10000xf32, #tpu.memory_space<hbm>>
    %dma_wait3A_59 = arith.constant 0 : i32
    %dma_wait3A_60 = tpu.memref_slice %arg4[%add3A_20, %dma_wait3A_59] : memref<512x10000xf32, #tpu.memory_space<hbm>> -> memref<1x10000xf32, #tpu.memory_space<hbm>>
    tpu.wait_dma2 semaphore(%arg14 : memref<!tpu.dma_semaphore, #tpu.memory_space<semaphore_mem>>) src(%arg6 : memref<1x10000xf32, #tpu.memory_space<vmem>>) dst(%dma_wait3A_60 : memref<1x10000xf32, #tpu.memory_space<hbm>>)
    %slice3A_61 = vector.extract_strided_slice %get3A_6 {offsets = [4], sizes = [1], strides = [1]} : vector<16xi32> to vector<1xi32>
    %squeeze3A_62 = vector.extract %slice3A_61[0] : i32 from vector<1xi32>
    %dma_start3A_63 = arith.constant 0 : i32
    %dma_start3A_64 = tpu.memref_slice %arg2[%squeeze3A_62, %dma_start3A_63] : memref<10000x10000xf32, #tpu.memory_space<hbm>> -> memref<1x10000xf32, #tpu.memory_space<hbm>>
    %dma_start3A_65 = arith.constant 0 : i32
    %dma_start3A_66 = tpu.memref_slice %arg2[%squeeze3A_62, %dma_start3A_65] : memref<10000x10000xf32, #tpu.memory_space<hbm>> -> memref<1x10000xf32, #tpu.memory_space<hbm>>
    tpu.enqueue_dma source(%dma_start3A_66 : memref<1x10000xf32, #tpu.memory_space<hbm>>) target(%arg6 : memref<1x10000xf32, #tpu.memory_space<vmem>>) target_semaphore(%arg10 : memref<!tpu.dma_semaphore, #tpu.memory_space<semaphore_mem>>)
    %dma_wait3A_67 = arith.constant 0 : i32
    %dma_wait3A_68 = tpu.memref_slice %arg2[%squeeze3A_42, %dma_wait3A_67] : memref<10000x10000xf32, #tpu.memory_space<hbm>> -> memref<1x10000xf32, #tpu.memory_space<hbm>>
    %dma_wait3A_69 = arith.constant 0 : i32
    %dma_wait3A_70 = tpu.memref_slice %arg2[%squeeze3A_42, %dma_wait3A_69] : memref<10000x10000xf32, #tpu.memory_space<hbm>> -> memref<1x10000xf32, #tpu.memory_space<hbm>>
    tpu.wait_dma2 semaphore(%arg13 : memref<!tpu.dma_semaphore, #tpu.memory_space<semaphore_mem>>) src(%dma_wait3A_70 : memref<1x10000xf32, #tpu.memory_space<hbm>>) dst(%arg9 : memref<1x10000xf32, #tpu.memory_space<vmem>>)
    %add3A_71 = arith.constant 3 : i32
    %add3A_72 = arith.addi %mul3A_2, %add3A_71 : i32
    %dma_start3A_73 = arith.constant 0 : i32
    %dma_start3A_74 = tpu.memref_slice %arg4[%add3A_72, %dma_start3A_73] : memref<512x10000xf32, #tpu.memory_space<hbm>> -> memref<1x10000xf32, #tpu.memory_space<hbm>>
    %dma_start3A_75 = arith.constant 0 : i32
    %dma_start3A_76 = tpu.memref_slice %arg4[%add3A_72, %dma_start3A_75] : memref<512x10000xf32, #tpu.memory_space<hbm>> -> memref<1x10000xf32, #tpu.memory_space<hbm>>
    tpu.enqueue_dma source(%arg9 : memref<1x10000xf32, #tpu.memory_space<vmem>>) target(%dma_start3A_76 : memref<1x10000xf32, #tpu.memory_space<hbm>>) target_semaphore(%arg17 : memref<!tpu.dma_semaphore, #tpu.memory_space<semaphore_mem>>)
    %dma_wait3A_77 = arith.constant 0 : i32
    %dma_wait3A_78 = tpu.memref_slice %arg4[%add3A_36, %dma_wait3A_77] : memref<512x10000xf32, #tpu.memory_space<hbm>> -> memref<1x10000xf32, #tpu.memory_space<hbm>>
    %dma_wait3A_79 = arith.constant 0 : i32
    %dma_wait3A_80 = tpu.memref_slice %arg4[%add3A_36, %dma_wait3A_79] : memref<512x10000xf32, #tpu.memory_space<hbm>> -> memref<1x10000xf32, #tpu.memory_space<hbm>>
    tpu.wait_dma2 semaphore(%arg15 : memref<!tpu.dma_semaphore, #tpu.memory_space<semaphore_mem>>) src(%arg7 : memref<1x10000xf32, #tpu.memory_space<vmem>>) dst(%dma_wait3A_80 : memref<1x10000xf32, #tpu.memory_space<hbm>>)
    %slice3A_81 = vector.extract_strided_slice %get3A_6 {offsets = [5], sizes = [1], strides = [1]} : vector<16xi32> to vector<1xi32>
    %squeeze3A_82 = vector.extract %slice3A_81[0] : i32 from vector<1xi32>
    %dma_start3A_83 = arith.constant 0 : i32
    %dma_start3A_84 = tpu.memref_slice %arg2[%squeeze3A_82, %dma_start3A_83] : memref<10000x10000xf32, #tpu.memory_space<hbm>> -> memref<1x10000xf32, #tpu.memory_space<hbm>>
    %dma_start3A_85 = arith.constant 0 : i32
    %dma_start3A_86 = tpu.memref_slice %arg2[%squeeze3A_82, %dma_start3A_85] : memref<10000x10000xf32, #tpu.memory_space<hbm>> -> memref<1x10000xf32, #tpu.memory_space<hbm>>
    tpu.enqueue_dma source(%dma_start3A_86 : memref<1x10000xf32, #tpu.memory_space<hbm>>) target(%arg7 : memref<1x10000xf32, #tpu.memory_space<vmem>>) target_semaphore(%arg11 : memref<!tpu.dma_semaphore, #tpu.memory_space<semaphore_mem>>)
    %dma_wait3A_87 = arith.constant 0 : i32
    %dma_wait3A_88 = tpu.memref_slice %arg2[%squeeze3A_62, %dma_wait3A_87] : memref<10000x10000xf32, #tpu.memory_space<hbm>> -> memref<1x10000xf32, #tpu.memory_space<hbm>>
    %dma_wait3A_89 = arith.constant 0 : i32
    %dma_wait3A_90 = tpu.memref_slice %arg2[%squeeze3A_62, %dma_wait3A_89] : memref<10000x10000xf32, #tpu.memory_space<hbm>> -> memref<1x10000xf32, #tpu.memory_space<hbm>>
    tpu.wait_dma2 semaphore(%arg10 : memref<!tpu.dma_semaphore, #tpu.memory_space<semaphore_mem>>) src(%dma_wait3A_90 : memref<1x10000xf32, #tpu.memory_space<hbm>>) dst(%arg6 : memref<1x10000xf32, #tpu.memory_space<vmem>>)
    %add3A_91 = arith.constant 4 : i32
    %add3A_92 = arith.addi %mul3A_2, %add3A_91 : i32
    %dma_start3A_93 = arith.constant 0 : i32
    %dma_start3A_94 = tpu.memref_slice %arg4[%add3A_92, %dma_start3A_93] : memref<512x10000xf32, #tpu.memory_space<hbm>> -> memref<1x10000xf32, #tpu.memory_space<hbm>>
    %dma_start3A_95 = arith.constant 0 : i32
    %dma_start3A_96 = tpu.memref_slice %arg4[%add3A_92, %dma_start3A_95] : memref<512x10000xf32, #tpu.memory_space<hbm>> -> memref<1x10000xf32, #tpu.memory_space<hbm>>
    tpu.enqueue_dma source(%arg6 : memref<1x10000xf32, #tpu.memory_space<vmem>>) target(%dma_start3A_96 : memref<1x10000xf32, #tpu.memory_space<hbm>>) target_semaphore(%arg14 : memref<!tpu.dma_semaphore, #tpu.memory_space<semaphore_mem>>)
    %dma_wait3A_97 = arith.constant 0 : i32
    %dma_wait3A_98 = tpu.memref_slice %arg4[%add3A_52, %dma_wait3A_97] : memref<512x10000xf32, #tpu.memory_space<hbm>> -> memref<1x10000xf32, #tpu.memory_space<hbm>>
    %dma_wait3A_99 = arith.constant 0 : i32
    %dma_wait3A_100 = tpu.memref_slice %arg4[%add3A_52, %dma_wait3A_99] : memref<512x10000xf32, #tpu.memory_space<hbm>> -> memref<1x10000xf32, #tpu.memory_space<hbm>>
    tpu.wait_dma2 semaphore(%arg16 : memref<!tpu.dma_semaphore, #tpu.memory_space<semaphore_mem>>) src(%arg8 : memref<1x10000xf32, #tpu.memory_space<vmem>>) dst(%dma_wait3A_100 : memref<1x10000xf32, #tpu.memory_space<hbm>>)
    %slice3A_101 = vector.extract_strided_slice %get3A_6 {offsets = [6], sizes = [1], strides = [1]} : vector<16xi32> to vector<1xi32>
    %squeeze3A_102 = vector.extract %slice3A_101[0] : i32 from vector<1xi32>
    %dma_start3A_103 = arith.constant 0 : i32
    %dma_start3A_104 = tpu.memref_slice %arg2[%squeeze3A_102, %dma_start3A_103] : memref<10000x10000xf32, #tpu.memory_space<hbm>> -> memref<1x10000xf32, #tpu.memory_space<hbm>>
    %dma_start3A_105 = arith.constant 0 : i32
    %dma_start3A_106 = tpu.memref_slice %arg2[%squeeze3A_102, %dma_start3A_105] : memref<10000x10000xf32, #tpu.memory_space<hbm>> -> memref<1x10000xf32, #tpu.memory_space<hbm>>
    tpu.enqueue_dma source(%dma_start3A_106 : memref<1x10000xf32, #tpu.memory_space<hbm>>) target(%arg8 : memref<1x10000xf32, #tpu.memory_space<vmem>>) target_semaphore(%arg12 : memref<!tpu.dma_semaphore, #tpu.memory_space<semaphore_mem>>)
    %dma_wait3A_107 = arith.constant 0 : i32
    %dma_wait3A_108 = tpu.memref_slice %arg2[%squeeze3A_82, %dma_wait3A_107] : memref<10000x10000xf32, #tpu.memory_space<hbm>> -> memref<1x10000xf32, #tpu.memory_space<hbm>>
    %dma_wait3A_109 = arith.constant 0 : i32
    %dma_wait3A_110 = tpu.memref_slice %arg2[%squeeze3A_82, %dma_wait3A_109] : memref<10000x10000xf32, #tpu.memory_space<hbm>> -> memref<1x10000xf32, #tpu.memory_space<hbm>>
    tpu.wait_dma2 semaphore(%arg11 : memref<!tpu.dma_semaphore, #tpu.memory_space<semaphore_mem>>) src(%dma_wait3A_110 : memref<1x10000xf32, #tpu.memory_space<hbm>>) dst(%arg7 : memref<1x10000xf32, #tpu.memory_space<vmem>>)
    %add3A_111 = arith.constant 5 : i32
    %add3A_112 = arith.addi %mul3A_2, %add3A_111 : i32
    %dma_start3A_113 = arith.constant 0 : i32
    %dma_start3A_114 = tpu.memref_slice %arg4[%add3A_112, %dma_start3A_113] : memref<512x10000xf32, #tpu.memory_space<hbm>> -> memref<1x10000xf32, #tpu.memory_space<hbm>>
    %dma_start3A_115 = arith.constant 0 : i32
    %dma_start3A_116 = tpu.memref_slice %arg4[%add3A_112, %dma_start3A_115] : memref<512x10000xf32, #tpu.memory_space<hbm>> -> memref<1x10000xf32, #tpu.memory_space<hbm>>
    tpu.enqueue_dma source(%arg7 : memref<1x10000xf32, #tpu.memory_space<vmem>>) target(%dma_start3A_116 : memref<1x10000xf32, #tpu.memory_space<hbm>>) target_semaphore(%arg15 : memref<!tpu.dma_semaphore, #tpu.memory_space<semaphore_mem>>)
    %dma_wait3A_117 = arith.constant 0 : i32
    %dma_wait3A_118 = tpu.memref_slice %arg4[%add3A_72, %dma_wait3A_117] : memref<512x10000xf32, #tpu.memory_space<hbm>> -> memref<1x10000xf32, #tpu.memory_space<hbm>>
    %dma_wait3A_119 = arith.constant 0 : i32
    %dma_wait3A_120 = tpu.memref_slice %arg4[%add3A_72, %dma_wait3A_119] : memref<512x10000xf32, #tpu.memory_space<hbm>> -> memref<1x10000xf32, #tpu.memory_space<hbm>>
    tpu.wait_dma2 semaphore(%arg17 : memref<!tpu.dma_semaphore, #tpu.memory_space<semaphore_mem>>) src(%arg9 : memref<1x10000xf32, #tpu.memory_space<vmem>>) dst(%dma_wait3A_120 : memref<1x10000xf32, #tpu.memory_space<hbm>>)
    %slice3A_121 = vector.extract_strided_slice %get3A_6 {offsets = [7], sizes = [1], strides = [1]} : vector<16xi32> to vector<1xi32>
    %squeeze3A_122 = vector.extract %slice3A_121[0] : i32 from vector<1xi32>
    %dma_start3A_123 = arith.constant 0 : i32
    %dma_start3A_124 = tpu.memref_slice %arg2[%squeeze3A_122, %dma_start3A_123] : memref<10000x10000xf32, #tpu.memory_space<hbm>> -> memref<1x10000xf32, #tpu.memory_space<hbm>>
    %dma_start3A_125 = arith.constant 0 : i32
    %dma_start3A_126 = tpu.memref_slice %arg2[%squeeze3A_122, %dma_start3A_125] : memref<10000x10000xf32, #tpu.memory_space<hbm>> -> memref<1x10000xf32, #tpu.memory_space<hbm>>
    tpu.enqueue_dma source(%dma_start3A_126 : memref<1x10000xf32, #tpu.memory_space<hbm>>) target(%arg9 : memref<1x10000xf32, #tpu.memory_space<vmem>>) target_semaphore(%arg13 : memref<!tpu.dma_semaphore, #tpu.memory_space<semaphore_mem>>)
    %dma_wait3A_127 = arith.constant 0 : i32
    %dma_wait3A_128 = tpu.memref_slice %arg2[%squeeze3A_102, %dma_wait3A_127] : memref<10000x10000xf32, #tpu.memory_space<hbm>> -> memref<1x10000xf32, #tpu.memory_space<hbm>>
    %dma_wait3A_129 = arith.constant 0 : i32
    %dma_wait3A_130 = tpu.memref_slice %arg2[%squeeze3A_102, %dma_wait3A_129] : memref<10000x10000xf32, #tpu.memory_space<hbm>> -> memref<1x10000xf32, #tpu.memory_space<hbm>>
    tpu.wait_dma2 semaphore(%arg12 : memref<!tpu.dma_semaphore, #tpu.memory_space<semaphore_mem>>) src(%dma_wait3A_130 : memref<1x10000xf32, #tpu.memory_space<hbm>>) dst(%arg8 : memref<1x10000xf32, #tpu.memory_space<vmem>>)
    %add3A_131 = arith.constant 6 : i32
    %add3A_132 = arith.addi %mul3A_2, %add3A_131 : i32
    %dma_start3A_133 = arith.constant 0 : i32
    %dma_start3A_134 = tpu.memref_slice %arg4[%add3A_132, %dma_start3A_133] : memref<512x10000xf32, #tpu.memory_space<hbm>> -> memref<1x10000xf32, #tpu.memory_space<hbm>>
    %dma_start3A_135 = arith.constant 0 : i32
    %dma_start3A_136 = tpu.memref_slice %arg4[%add3A_132, %dma_start3A_135] : memref<512x10000xf32, #tpu.memory_space<hbm>> -> memref<1x10000xf32, #tpu.memory_space<hbm>>
    tpu.enqueue_dma source(%arg8 : memref<1x10000xf32, #tpu.memory_space<vmem>>) target(%dma_start3A_136 : memref<1x10000xf32, #tpu.memory_space<hbm>>) target_semaphore(%arg16 : memref<!tpu.dma_semaphore, #tpu.memory_space<semaphore_mem>>)
    %dma_wait3A_137 = arith.constant 0 : i32
    %dma_wait3A_138 = tpu.memref_slice %arg4[%add3A_92, %dma_wait3A_137] : memref<512x10000xf32, #tpu.memory_space<hbm>> -> memref<1x10000xf32, #tpu.memory_space<hbm>>
    %dma_wait3A_139 = arith.constant 0 : i32
    %dma_wait3A_140 = tpu.memref_slice %arg4[%add3A_92, %dma_wait3A_139] : memref<512x10000xf32, #tpu.memory_space<hbm>> -> memref<1x10000xf32, #tpu.memory_space<hbm>>
    tpu.wait_dma2 semaphore(%arg14 : memref<!tpu.dma_semaphore, #tpu.memory_space<semaphore_mem>>) src(%arg6 : memref<1x10000xf32, #tpu.memory_space<vmem>>) dst(%dma_wait3A_140 : memref<1x10000xf32, #tpu.memory_space<hbm>>)
    %slice3A_141 = vector.extract_strided_slice %get3A_6 {offsets = [8], sizes = [1], strides = [1]} : vector<16xi32> to vector<1xi32>
    %squeeze3A_142 = vector.extract %slice3A_141[0] : i32 from vector<1xi32>
    %dma_start3A_143 = arith.constant 0 : i32
    %dma_start3A_144 = tpu.memref_slice %arg2[%squeeze3A_142, %dma_start3A_143] : memref<10000x10000xf32, #tpu.memory_space<hbm>> -> memref<1x10000xf32, #tpu.memory_space<hbm>>
    %dma_start3A_145 = arith.constant 0 : i32
    %dma_start3A_146 = tpu.memref_slice %arg2[%squeeze3A_142, %dma_start3A_145] : memref<10000x10000xf32, #tpu.memory_space<hbm>> -> memref<1x10000xf32, #tpu.memory_space<hbm>>
    tpu.enqueue_dma source(%dma_start3A_146 : memref<1x10000xf32, #tpu.memory_space<hbm>>) target(%arg6 : memref<1x10000xf32, #tpu.memory_space<vmem>>) target_semaphore(%arg10 : memref<!tpu.dma_semaphore, #tpu.memory_space<semaphore_mem>>)
    %dma_wait3A_147 = arith.constant 0 : i32
    %dma_wait3A_148 = tpu.memref_slice %arg2[%squeeze3A_122, %dma_wait3A_147] : memref<10000x10000xf32, #tpu.memory_space<hbm>> -> memref<1x10000xf32, #tpu.memory_space<hbm>>
    %dma_wait3A_149 = arith.constant 0 : i32
    %dma_wait3A_150 = tpu.memref_slice %arg2[%squeeze3A_122, %dma_wait3A_149] : memref<10000x10000xf32, #tpu.memory_space<hbm>> -> memref<1x10000xf32, #tpu.memory_space<hbm>>
    tpu.wait_dma2 semaphore(%arg13 : memref<!tpu.dma_semaphore, #tpu.memory_space<semaphore_mem>>) src(%dma_wait3A_150 : memref<1x10000xf32, #tpu.memory_space<hbm>>) dst(%arg9 : memref<1x10000xf32, #tpu.memory_space<vmem>>)
    %add3A_151 = arith.constant 7 : i32
    %add3A_152 = arith.addi %mul3A_2, %add3A_151 : i32
    %dma_start3A_153 = arith.constant 0 : i32
    %dma_start3A_154 = tpu.memref_slice %arg4[%add3A_152, %dma_start3A_153] : memref<512x10000xf32, #tpu.memory_space<hbm>> -> memref<1x10000xf32, #tpu.memory_space<hbm>>
    %dma_start3A_155 = arith.constant 0 : i32
    %dma_start3A_156 = tpu.memref_slice %arg4[%add3A_152, %dma_start3A_155] : memref<512x10000xf32, #tpu.memory_space<hbm>> -> memref<1x10000xf32, #tpu.memory_space<hbm>>
    tpu.enqueue_dma source(%arg9 : memref<1x10000xf32, #tpu.memory_space<vmem>>) target(%dma_start3A_156 : memref<1x10000xf32, #tpu.memory_space<hbm>>) target_semaphore(%arg17 : memref<!tpu.dma_semaphore, #tpu.memory_space<semaphore_mem>>)
    %dma_wait3A_157 = arith.constant 0 : i32
    %dma_wait3A_158 = tpu.memref_slice %arg4[%add3A_112, %dma_wait3A_157] : memref<512x10000xf32, #tpu.memory_space<hbm>> -> memref<1x10000xf32, #tpu.memory_space<hbm>>
    %dma_wait3A_159 = arith.constant 0 : i32
    %dma_wait3A_160 = tpu.memref_slice %arg4[%add3A_112, %dma_wait3A_159] : memref<512x10000xf32, #tpu.memory_space<hbm>> -> memref<1x10000xf32, #tpu.memory_space<hbm>>
    tpu.wait_dma2 semaphore(%arg15 : memref<!tpu.dma_semaphore, #tpu.memory_space<semaphore_mem>>) src(%arg7 : memref<1x10000xf32, #tpu.memory_space<vmem>>) dst(%dma_wait3A_160 : memref<1x10000xf32, #tpu.memory_space<hbm>>)
    %slice3A_161 = vector.extract_strided_slice %get3A_6 {offsets = [9], sizes = [1], strides = [1]} : vector<16xi32> to vector<1xi32>
    %squeeze3A_162 = vector.extract %slice3A_161[0] : i32 from vector<1xi32>
    %dma_start3A_163 = arith.constant 0 : i32
    %dma_start3A_164 = tpu.memref_slice %arg2[%squeeze3A_162, %dma_start3A_163] : memref<10000x10000xf32, #tpu.memory_space<hbm>> -> memref<1x10000xf32, #tpu.memory_space<hbm>>
    %dma_start3A_165 = arith.constant 0 : i32
    %dma_start3A_166 = tpu.memref_slice %arg2[%squeeze3A_162, %dma_start3A_165] : memref<10000x10000xf32, #tpu.memory_space<hbm>> -> memref<1x10000xf32, #tpu.memory_space<hbm>>
    tpu.enqueue_dma source(%dma_start3A_166 : memref<1x10000xf32, #tpu.memory_space<hbm>>) target(%arg7 : memref<1x10000xf32, #tpu.memory_space<vmem>>) target_semaphore(%arg11 : memref<!tpu.dma_semaphore, #tpu.memory_space<semaphore_mem>>)
    %dma_wait3A_167 = arith.constant 0 : i32
    %dma_wait3A_168 = tpu.memref_slice %arg2[%squeeze3A_142, %dma_wait3A_167] : memref<10000x10000xf32, #tpu.memory_space<hbm>> -> memref<1x10000xf32, #tpu.memory_space<hbm>>
    %dma_wait3A_169 = arith.constant 0 : i32
    %dma_wait3A_170 = tpu.memref_slice %arg2[%squeeze3A_142, %dma_wait3A_169] : memref<10000x10000xf32, #tpu.memory_space<hbm>> -> memref<1x10000xf32, #tpu.memory_space<hbm>>
    tpu.wait_dma2 semaphore(%arg10 : memref<!tpu.dma_semaphore, #tpu.memory_space<semaphore_mem>>) src(%dma_wait3A_170 : memref<1x10000xf32, #tpu.memory_space<hbm>>) dst(%arg6 : memref<1x10000xf32, #tpu.memory_space<vmem>>)
    %add3A_171 = arith.constant 8 : i32
    %add3A_172 = arith.addi %mul3A_2, %add3A_171 : i32
    %dma_start3A_173 = arith.constant 0 : i32
    %dma_start3A_174 = tpu.memref_slice %arg4[%add3A_172, %dma_start3A_173] : memref<512x10000xf32, #tpu.memory_space<hbm>> -> memref<1x10000xf32, #tpu.memory_space<hbm>>
    %dma_start3A_175 = arith.constant 0 : i32
    %dma_start3A_176 = tpu.memref_slice %arg4[%add3A_172, %dma_start3A_175] : memref<512x10000xf32, #tpu.memory_space<hbm>> -> memref<1x10000xf32, #tpu.memory_space<hbm>>
    tpu.enqueue_dma source(%arg6 : memref<1x10000xf32, #tpu.memory_space<vmem>>) target(%dma_start3A_176 : memref<1x10000xf32, #tpu.memory_space<hbm>>) target_semaphore(%arg14 : memref<!tpu.dma_semaphore, #tpu.memory_space<semaphore_mem>>)
    %dma_wait3A_177 = arith.constant 0 : i32
    %dma_wait3A_178 = tpu.memref_slice %arg4[%add3A_132, %dma_wait3A_177] : memref<512x10000xf32, #tpu.memory_space<hbm>> -> memref<1x10000xf32, #tpu.memory_space<hbm>>
    %dma_wait3A_179 = arith.constant 0 : i32
    %dma_wait3A_180 = tpu.memref_slice %arg4[%add3A_132, %dma_wait3A_179] : memref<512x10000xf32, #tpu.memory_space<hbm>> -> memref<1x10000xf32, #tpu.memory_space<hbm>>
    tpu.wait_dma2 semaphore(%arg16 : memref<!tpu.dma_semaphore, #tpu.memory_space<semaphore_mem>>) src(%arg8 : memref<1x10000xf32, #tpu.memory_space<vmem>>) dst(%dma_wait3A_180 : memref<1x10000xf32, #tpu.memory_space<hbm>>)
    %slice3A_181 = vector.extract_strided_slice %get3A_6 {offsets = [10], sizes = [1], strides = [1]} : vector<16xi32> to vector<1xi32>
    %squeeze3A_182 = vector.extract %slice3A_181[0] : i32 from vector<1xi32>
    %dma_start3A_183 = arith.constant 0 : i32
    %dma_start3A_184 = tpu.memref_slice %arg2[%squeeze3A_182, %dma_start3A_183] : memref<10000x10000xf32, #tpu.memory_space<hbm>> -> memref<1x10000xf32, #tpu.memory_space<hbm>>
    %dma_start3A_185 = arith.constant 0 : i32
    %dma_start3A_186 = tpu.memref_slice %arg2[%squeeze3A_182, %dma_start3A_185] : memref<10000x10000xf32, #tpu.memory_space<hbm>> -> memref<1x10000xf32, #tpu.memory_space<hbm>>
    tpu.enqueue_dma source(%dma_start3A_186 : memref<1x10000xf32, #tpu.memory_space<hbm>>) target(%arg8 : memref<1x10000xf32, #tpu.memory_space<vmem>>) target_semaphore(%arg12 : memref<!tpu.dma_semaphore, #tpu.memory_space<semaphore_mem>>)
    %dma_wait3A_187 = arith.constant 0 : i32
    %dma_wait3A_188 = tpu.memref_slice %arg2[%squeeze3A_162, %dma_wait3A_187] : memref<10000x10000xf32, #tpu.memory_space<hbm>> -> memref<1x10000xf32, #tpu.memory_space<hbm>>
    %dma_wait3A_189 = arith.constant 0 : i32
    %dma_wait3A_190 = tpu.memref_slice %arg2[%squeeze3A_162, %dma_wait3A_189] : memref<10000x10000xf32, #tpu.memory_space<hbm>> -> memref<1x10000xf32, #tpu.memory_space<hbm>>
    tpu.wait_dma2 semaphore(%arg11 : memref<!tpu.dma_semaphore, #tpu.memory_space<semaphore_mem>>) src(%dma_wait3A_190 : memref<1x10000xf32, #tpu.memory_space<hbm>>) dst(%arg7 : memref<1x10000xf32, #tpu.memory_space<vmem>>)
    %add3A_191 = arith.constant 9 : i32
    %add3A_192 = arith.addi %mul3A_2, %add3A_191 : i32
    %dma_start3A_193 = arith.constant 0 : i32
    %dma_start3A_194 = tpu.memref_slice %arg4[%add3A_192, %dma_start3A_193] : memref<512x10000xf32, #tpu.memory_space<hbm>> -> memref<1x10000xf32, #tpu.memory_space<hbm>>
    %dma_start3A_195 = arith.constant 0 : i32
    %dma_start3A_196 = tpu.memref_slice %arg4[%add3A_192, %dma_start3A_195] : memref<512x10000xf32, #tpu.memory_space<hbm>> -> memref<1x10000xf32, #tpu.memory_space<hbm>>
    tpu.enqueue_dma source(%arg7 : memref<1x10000xf32, #tpu.memory_space<vmem>>) target(%dma_start3A_196 : memref<1x10000xf32, #tpu.memory_space<hbm>>) target_semaphore(%arg15 : memref<!tpu.dma_semaphore, #tpu.memory_space<semaphore_mem>>)
    %dma_wait3A_197 = arith.constant 0 : i32
    %dma_wait3A_198 = tpu.memref_slice %arg4[%add3A_152, %dma_wait3A_197] : memref<512x10000xf32, #tpu.memory_space<hbm>> -> memref<1x10000xf32, #tpu.memory_space<hbm>>
    %dma_wait3A_199 = arith.constant 0 : i32
    %dma_wait3A_200 = tpu.memref_slice %arg4[%add3A_152, %dma_wait3A_199] : memref<512x10000xf32, #tpu.memory_space<hbm>> -> memref<1x10000xf32, #tpu.memory_space<hbm>>
    tpu.wait_dma2 semaphore(%arg17 : memref<!tpu.dma_semaphore, #tpu.memory_space<semaphore_mem>>) src(%arg9 : memref<1x10000xf32, #tpu.memory_space<vmem>>) dst(%dma_wait3A_200 : memref<1x10000xf32, #tpu.memory_space<hbm>>)
    %slice3A_201 = vector.extract_strided_slice %get3A_6 {offsets = [11], sizes = [1], strides = [1]} : vector<16xi32> to vector<1xi32>
    %squeeze3A_202 = vector.extract %slice3A_201[0] : i32 from vector<1xi32>
    %dma_start3A_203 = arith.constant 0 : i32
    %dma_start3A_204 = tpu.memref_slice %arg2[%squeeze3A_202, %dma_start3A_203] : memref<10000x10000xf32, #tpu.memory_space<hbm>> -> memref<1x10000xf32, #tpu.memory_space<hbm>>
    %dma_start3A_205 = arith.constant 0 : i32
    %dma_start3A_206 = tpu.memref_slice %arg2[%squeeze3A_202, %dma_start3A_205] : memref<10000x10000xf32, #tpu.memory_space<hbm>> -> memref<1x10000xf32, #tpu.memory_space<hbm>>
    tpu.enqueue_dma source(%dma_start3A_206 : memref<1x10000xf32, #tpu.memory_space<hbm>>) target(%arg9 : memref<1x10000xf32, #tpu.memory_space<vmem>>) target_semaphore(%arg13 : memref<!tpu.dma_semaphore, #tpu.memory_space<semaphore_mem>>)
    %dma_wait3A_207 = arith.constant 0 : i32
    %dma_wait3A_208 = tpu.memref_slice %arg2[%squeeze3A_182, %dma_wait3A_207] : memref<10000x10000xf32, #tpu.memory_space<hbm>> -> memref<1x10000xf32, #tpu.memory_space<hbm>>
    %dma_wait3A_209 = arith.constant 0 : i32
    %dma_wait3A_210 = tpu.memref_slice %arg2[%squeeze3A_182, %dma_wait3A_209] : memref<10000x10000xf32, #tpu.memory_space<hbm>> -> memref<1x10000xf32, #tpu.memory_space<hbm>>
    tpu.wait_dma2 semaphore(%arg12 : memref<!tpu.dma_semaphore, #tpu.memory_space<semaphore_mem>>) src(%dma_wait3A_210 : memref<1x10000xf32, #tpu.memory_space<hbm>>) dst(%arg8 : memref<1x10000xf32, #tpu.memory_space<vmem>>)
    %add3A_211 = arith.constant 10 : i32
    %add3A_212 = arith.addi %mul3A_2, %add3A_211 : i32
    %dma_start3A_213 = arith.constant 0 : i32
    %dma_start3A_214 = tpu.memref_slice %arg4[%add3A_212, %dma_start3A_213] : memref<512x10000xf32, #tpu.memory_space<hbm>> -> memref<1x10000xf32, #tpu.memory_space<hbm>>
    %dma_start3A_215 = arith.constant 0 : i32
    %dma_start3A_216 = tpu.memref_slice %arg4[%add3A_212, %dma_start3A_215] : memref<512x10000xf32, #tpu.memory_space<hbm>> -> memref<1x10000xf32, #tpu.memory_space<hbm>>
    tpu.enqueue_dma source(%arg8 : memref<1x10000xf32, #tpu.memory_space<vmem>>) target(%dma_start3A_216 : memref<1x10000xf32, #tpu.memory_space<hbm>>) target_semaphore(%arg16 : memref<!tpu.dma_semaphore, #tpu.memory_space<semaphore_mem>>)
    %dma_wait3A_217 = arith.constant 0 : i32
    %dma_wait3A_218 = tpu.memref_slice %arg4[%add3A_172, %dma_wait3A_217] : memref<512x10000xf32, #tpu.memory_space<hbm>> -> memref<1x10000xf32, #tpu.memory_space<hbm>>
    %dma_wait3A_219 = arith.constant 0 : i32
    %dma_wait3A_220 = tpu.memref_slice %arg4[%add3A_172, %dma_wait3A_219] : memref<512x10000xf32, #tpu.memory_space<hbm>> -> memref<1x10000xf32, #tpu.memory_space<hbm>>
    tpu.wait_dma2 semaphore(%arg14 : memref<!tpu.dma_semaphore, #tpu.memory_space<semaphore_mem>>) src(%arg6 : memref<1x10000xf32, #tpu.memory_space<vmem>>) dst(%dma_wait3A_220 : memref<1x10000xf32, #tpu.memory_space<hbm>>)
    %slice3A_221 = vector.extract_strided_slice %get3A_6 {offsets = [12], sizes = [1], strides = [1]} : vector<16xi32> to vector<1xi32>
    %squeeze3A_222 = vector.extract %slice3A_221[0] : i32 from vector<1xi32>
    %dma_start3A_223 = arith.constant 0 : i32
    %dma_start3A_224 = tpu.memref_slice %arg2[%squeeze3A_222, %dma_start3A_223] : memref<10000x10000xf32, #tpu.memory_space<hbm>> -> memref<1x10000xf32, #tpu.memory_space<hbm>>
    %dma_start3A_225 = arith.constant 0 : i32
    %dma_start3A_226 = tpu.memref_slice %arg2[%squeeze3A_222, %dma_start3A_225] : memref<10000x10000xf32, #tpu.memory_space<hbm>> -> memref<1x10000xf32, #tpu.memory_space<hbm>>
    tpu.enqueue_dma source(%dma_start3A_226 : memref<1x10000xf32, #tpu.memory_space<hbm>>) target(%arg6 : memref<1x10000xf32, #tpu.memory_space<vmem>>) target_semaphore(%arg10 : memref<!tpu.dma_semaphore, #tpu.memory_space<semaphore_mem>>)
    %dma_wait3A_227 = arith.constant 0 : i32
    %dma_wait3A_228 = tpu.memref_slice %arg2[%squeeze3A_202, %dma_wait3A_227] : memref<10000x10000xf32, #tpu.memory_space<hbm>> -> memref<1x10000xf32, #tpu.memory_space<hbm>>
    %dma_wait3A_229 = arith.constant 0 : i32
    %dma_wait3A_230 = tpu.memref_slice %arg2[%squeeze3A_202, %dma_wait3A_229] : memref<10000x10000xf32, #tpu.memory_space<hbm>> -> memref<1x10000xf32, #tpu.memory_space<hbm>>
    tpu.wait_dma2 semaphore(%arg13 : memref<!tpu.dma_semaphore, #tpu.memory_space<semaphore_mem>>) src(%dma_wait3A_230 : memref<1x10000xf32, #tpu.memory_space<hbm>>) dst(%arg9 : memref<1x10000xf32, #tpu.memory_space<vmem>>)
    %add3A_231 = arith.constant 11 : i32
    %add3A_232 = arith.addi %mul3A_2, %add3A_231 : i32
    %dma_start3A_233 = arith.constant 0 : i32
    %dma_start3A_234 = tpu.memref_slice %arg4[%add3A_232, %dma_start3A_233] : memref<512x10000xf32, #tpu.memory_space<hbm>> -> memref<1x10000xf32, #tpu.memory_space<hbm>>
    %dma_start3A_235 = arith.constant 0 : i32
    %dma_start3A_236 = tpu.memref_slice %arg4[%add3A_232, %dma_start3A_235] : memref<512x10000xf32, #tpu.memory_space<hbm>> -> memref<1x10000xf32, #tpu.memory_space<hbm>>
    tpu.enqueue_dma source(%arg9 : memref<1x10000xf32, #tpu.memory_space<vmem>>) target(%dma_start3A_236 : memref<1x10000xf32, #tpu.memory_space<hbm>>) target_semaphore(%arg17 : memref<!tpu.dma_semaphore, #tpu.memory_space<semaphore_mem>>)
    %dma_wait3A_237 = arith.constant 0 : i32
    %dma_wait3A_238 = tpu.memref_slice %arg4[%add3A_192, %dma_wait3A_237] : memref<512x10000xf32, #tpu.memory_space<hbm>> -> memref<1x10000xf32, #tpu.memory_space<hbm>>
    %dma_wait3A_239 = arith.constant 0 : i32
    %dma_wait3A_240 = tpu.memref_slice %arg4[%add3A_192, %dma_wait3A_239] : memref<512x10000xf32, #tpu.memory_space<hbm>> -> memref<1x10000xf32, #tpu.memory_space<hbm>>
    tpu.wait_dma2 semaphore(%arg15 : memref<!tpu.dma_semaphore, #tpu.memory_space<semaphore_mem>>) src(%arg7 : memref<1x10000xf32, #tpu.memory_space<vmem>>) dst(%dma_wait3A_240 : memref<1x10000xf32, #tpu.memory_space<hbm>>)
    %slice3A_241 = vector.extract_strided_slice %get3A_6 {offsets = [13], sizes = [1], strides = [1]} : vector<16xi32> to vector<1xi32>
    %squeeze3A_242 = vector.extract %slice3A_241[0] : i32 from vector<1xi32>
    %dma_start3A_243 = arith.constant 0 : i32
    %dma_start3A_244 = tpu.memref_slice %arg2[%squeeze3A_242, %dma_start3A_243] : memref<10000x10000xf32, #tpu.memory_space<hbm>> -> memref<1x10000xf32, #tpu.memory_space<hbm>>
    %dma_start3A_245 = arith.constant 0 : i32
    %dma_start3A_246 = tpu.memref_slice %arg2[%squeeze3A_242, %dma_start3A_245] : memref<10000x10000xf32, #tpu.memory_space<hbm>> -> memref<1x10000xf32, #tpu.memory_space<hbm>>
    tpu.enqueue_dma source(%dma_start3A_246 : memref<1x10000xf32, #tpu.memory_space<hbm>>) target(%arg7 : memref<1x10000xf32, #tpu.memory_space<vmem>>) target_semaphore(%arg11 : memref<!tpu.dma_semaphore, #tpu.memory_space<semaphore_mem>>)
    %dma_wait3A_247 = arith.constant 0 : i32
    %dma_wait3A_248 = tpu.memref_slice %arg2[%squeeze3A_222, %dma_wait3A_247] : memref<10000x10000xf32, #tpu.memory_space<hbm>> -> memref<1x10000xf32, #tpu.memory_space<hbm>>
    %dma_wait3A_249 = arith.constant 0 : i32
    %dma_wait3A_250 = tpu.memref_slice %arg2[%squeeze3A_222, %dma_wait3A_249] : memref<10000x10000xf32, #tpu.memory_space<hbm>> -> memref<1x10000xf32, #tpu.memory_space<hbm>>
    tpu.wait_dma2 semaphore(%arg10 : memref<!tpu.dma_semaphore, #tpu.memory_space<semaphore_mem>>) src(%dma_wait3A_250 : memref<1x10000xf32, #tpu.memory_space<hbm>>) dst(%arg6 : memref<1x10000xf32, #tpu.memory_space<vmem>>)
    %add3A_251 = arith.constant 12 : i32
    %add3A_252 = arith.addi %mul3A_2, %add3A_251 : i32
    %dma_start3A_253 = arith.constant 0 : i32
    %dma_start3A_254 = tpu.memref_slice %arg4[%add3A_252, %dma_start3A_253] : memref<512x10000xf32, #tpu.memory_space<hbm>> -> memref<1x10000xf32, #tpu.memory_space<hbm>>
    %dma_start3A_255 = arith.constant 0 : i32
    %dma_start3A_256 = tpu.memref_slice %arg4[%add3A_252, %dma_start3A_255] : memref<512x10000xf32, #tpu.memory_space<hbm>> -> memref<1x10000xf32, #tpu.memory_space<hbm>>
    tpu.enqueue_dma source(%arg6 : memref<1x10000xf32, #tpu.memory_space<vmem>>) target(%dma_start3A_256 : memref<1x10000xf32, #tpu.memory_space<hbm>>) target_semaphore(%arg14 : memref<!tpu.dma_semaphore, #tpu.memory_space<semaphore_mem>>)
    %dma_wait3A_257 = arith.constant 0 : i32
    %dma_wait3A_258 = tpu.memref_slice %arg4[%add3A_212, %dma_wait3A_257] : memref<512x10000xf32, #tpu.memory_space<hbm>> -> memref<1x10000xf32, #tpu.memory_space<hbm>>
    %dma_wait3A_259 = arith.constant 0 : i32
    %dma_wait3A_260 = tpu.memref_slice %arg4[%add3A_212, %dma_wait3A_259] : memref<512x10000xf32, #tpu.memory_space<hbm>> -> memref<1x10000xf32, #tpu.memory_space<hbm>>
    tpu.wait_dma2 semaphore(%arg16 : memref<!tpu.dma_semaphore, #tpu.memory_space<semaphore_mem>>) src(%arg8 : memref<1x10000xf32, #tpu.memory_space<vmem>>) dst(%dma_wait3A_260 : memref<1x10000xf32, #tpu.memory_space<hbm>>)
    %slice3A_261 = vector.extract_strided_slice %get3A_6 {offsets = [14], sizes = [1], strides = [1]} : vector<16xi32> to vector<1xi32>
    %squeeze3A_262 = vector.extract %slice3A_261[0] : i32 from vector<1xi32>
    %dma_start3A_263 = arith.constant 0 : i32
    %dma_start3A_264 = tpu.memref_slice %arg2[%squeeze3A_262, %dma_start3A_263] : memref<10000x10000xf32, #tpu.memory_space<hbm>> -> memref<1x10000xf32, #tpu.memory_space<hbm>>
    %dma_start3A_265 = arith.constant 0 : i32
    %dma_start3A_266 = tpu.memref_slice %arg2[%squeeze3A_262, %dma_start3A_265] : memref<10000x10000xf32, #tpu.memory_space<hbm>> -> memref<1x10000xf32, #tpu.memory_space<hbm>>
    tpu.enqueue_dma source(%dma_start3A_266 : memref<1x10000xf32, #tpu.memory_space<hbm>>) target(%arg8 : memref<1x10000xf32, #tpu.memory_space<vmem>>) target_semaphore(%arg12 : memref<!tpu.dma_semaphore, #tpu.memory_space<semaphore_mem>>)
    %dma_wait3A_267 = arith.constant 0 : i32
    %dma_wait3A_268 = tpu.memref_slice %arg2[%squeeze3A_242, %dma_wait3A_267] : memref<10000x10000xf32, #tpu.memory_space<hbm>> -> memref<1x10000xf32, #tpu.memory_space<hbm>>
    %dma_wait3A_269 = arith.constant 0 : i32
    %dma_wait3A_270 = tpu.memref_slice %arg2[%squeeze3A_242, %dma_wait3A_269] : memref<10000x10000xf32, #tpu.memory_space<hbm>> -> memref<1x10000xf32, #tpu.memory_space<hbm>>
    tpu.wait_dma2 semaphore(%arg11 : memref<!tpu.dma_semaphore, #tpu.memory_space<semaphore_mem>>) src(%dma_wait3A_270 : memref<1x10000xf32, #tpu.memory_space<hbm>>) dst(%arg7 : memref<1x10000xf32, #tpu.memory_space<vmem>>)
    %add3A_271 = arith.constant 13 : i32
    %add3A_272 = arith.addi %mul3A_2, %add3A_271 : i32
    %dma_start3A_273 = arith.constant 0 : i32
    %dma_start3A_274 = tpu.memref_slice %arg4[%add3A_272, %dma_start3A_273] : memref<512x10000xf32, #tpu.memory_space<hbm>> -> memref<1x10000xf32, #tpu.memory_space<hbm>>
    %dma_start3A_275 = arith.constant 0 : i32
    %dma_start3A_276 = tpu.memref_slice %arg4[%add3A_272, %dma_start3A_275] : memref<512x10000xf32, #tpu.memory_space<hbm>> -> memref<1x10000xf32, #tpu.memory_space<hbm>>
    tpu.enqueue_dma source(%arg7 : memref<1x10000xf32, #tpu.memory_space<vmem>>) target(%dma_start3A_276 : memref<1x10000xf32, #tpu.memory_space<hbm>>) target_semaphore(%arg15 : memref<!tpu.dma_semaphore, #tpu.memory_space<semaphore_mem>>)
    %dma_wait3A_277 = arith.constant 0 : i32
    %dma_wait3A_278 = tpu.memref_slice %arg4[%add3A_232, %dma_wait3A_277] : memref<512x10000xf32, #tpu.memory_space<hbm>> -> memref<1x10000xf32, #tpu.memory_space<hbm>>
    %dma_wait3A_279 = arith.constant 0 : i32
    %dma_wait3A_280 = tpu.memref_slice %arg4[%add3A_232, %dma_wait3A_279] : memref<512x10000xf32, #tpu.memory_space<hbm>> -> memref<1x10000xf32, #tpu.memory_space<hbm>>
    tpu.wait_dma2 semaphore(%arg17 : memref<!tpu.dma_semaphore, #tpu.memory_space<semaphore_mem>>) src(%arg9 : memref<1x10000xf32, #tpu.memory_space<vmem>>) dst(%dma_wait3A_280 : memref<1x10000xf32, #tpu.memory_space<hbm>>)
    %slice3A_281 = vector.extract_strided_slice %get3A_6 {offsets = [15], sizes = [1], strides = [1]} : vector<16xi32> to vector<1xi32>
    %squeeze3A_282 = vector.extract %slice3A_281[0] : i32 from vector<1xi32>
    %dma_start3A_283 = arith.constant 0 : i32
    %dma_start3A_284 = tpu.memref_slice %arg2[%squeeze3A_282, %dma_start3A_283] : memref<10000x10000xf32, #tpu.memory_space<hbm>> -> memref<1x10000xf32, #tpu.memory_space<hbm>>
    %dma_start3A_285 = arith.constant 0 : i32
    %dma_start3A_286 = tpu.memref_slice %arg2[%squeeze3A_282, %dma_start3A_285] : memref<10000x10000xf32, #tpu.memory_space<hbm>> -> memref<1x10000xf32, #tpu.memory_space<hbm>>
    tpu.enqueue_dma source(%dma_start3A_286 : memref<1x10000xf32, #tpu.memory_space<hbm>>) target(%arg9 : memref<1x10000xf32, #tpu.memory_space<vmem>>) target_semaphore(%arg13 : memref<!tpu.dma_semaphore, #tpu.memory_space<semaphore_mem>>)
    %dma_wait3A_287 = arith.constant 0 : i32
    %dma_wait3A_288 = tpu.memref_slice %arg2[%squeeze3A_262, %dma_wait3A_287] : memref<10000x10000xf32, #tpu.memory_space<hbm>> -> memref<1x10000xf32, #tpu.memory_space<hbm>>
    %dma_wait3A_289 = arith.constant 0 : i32
    %dma_wait3A_290 = tpu.memref_slice %arg2[%squeeze3A_262, %dma_wait3A_289] : memref<10000x10000xf32, #tpu.memory_space<hbm>> -> memref<1x10000xf32, #tpu.memory_space<hbm>>
    tpu.wait_dma2 semaphore(%arg12 : memref<!tpu.dma_semaphore, #tpu.memory_space<semaphore_mem>>) src(%dma_wait3A_290 : memref<1x10000xf32, #tpu.memory_space<hbm>>) dst(%arg8 : memref<1x10000xf32, #tpu.memory_space<vmem>>)
    %add3A_291 = arith.constant 14 : i32
    %add3A_292 = arith.addi %mul3A_2, %add3A_291 : i32
    %dma_start3A_293 = arith.constant 0 : i32
    %dma_start3A_294 = tpu.memref_slice %arg4[%add3A_292, %dma_start3A_293] : memref<512x10000xf32, #tpu.memory_space<hbm>> -> memref<1x10000xf32, #tpu.memory_space<hbm>>
    %dma_start3A_295 = arith.constant 0 : i32
    %dma_start3A_296 = tpu.memref_slice %arg4[%add3A_292, %dma_start3A_295] : memref<512x10000xf32, #tpu.memory_space<hbm>> -> memref<1x10000xf32, #tpu.memory_space<hbm>>
    tpu.enqueue_dma source(%arg8 : memref<1x10000xf32, #tpu.memory_space<vmem>>) target(%dma_start3A_296 : memref<1x10000xf32, #tpu.memory_space<hbm>>) target_semaphore(%arg16 : memref<!tpu.dma_semaphore, #tpu.memory_space<semaphore_mem>>)
    %dma_wait3A_297 = arith.constant 0 : i32
    %dma_wait3A_298 = tpu.memref_slice %arg2[%squeeze3A_282, %dma_wait3A_297] : memref<10000x10000xf32, #tpu.memory_space<hbm>> -> memref<1x10000xf32, #tpu.memory_space<hbm>>
    %dma_wait3A_299 = arith.constant 0 : i32
    %dma_wait3A_300 = tpu.memref_slice %arg2[%squeeze3A_282, %dma_wait3A_299] : memref<10000x10000xf32, #tpu.memory_space<hbm>> -> memref<1x10000xf32, #tpu.memory_space<hbm>>
    tpu.wait_dma2 semaphore(%arg13 : memref<!tpu.dma_semaphore, #tpu.memory_space<semaphore_mem>>) src(%dma_wait3A_300 : memref<1x10000xf32, #tpu.memory_space<hbm>>) dst(%arg9 : memref<1x10000xf32, #tpu.memory_space<vmem>>)
    %add3A_301 = arith.constant 15 : i32
    %add3A_302 = arith.addi %mul3A_2, %add3A_301 : i32
    %dma_start3A_303 = arith.constant 0 : i32
    %dma_start3A_304 = tpu.memref_slice %arg4[%add3A_302, %dma_start3A_303] : memref<512x10000xf32, #tpu.memory_space<hbm>> -> memref<1x10000xf32, #tpu.memory_space<hbm>>
    %dma_start3A_305 = arith.constant 0 : i32
    %dma_start3A_306 = tpu.memref_slice %arg4[%add3A_302, %dma_start3A_305] : memref<512x10000xf32, #tpu.memory_space<hbm>> -> memref<1x10000xf32, #tpu.memory_space<hbm>>
    tpu.enqueue_dma source(%arg9 : memref<1x10000xf32, #tpu.memory_space<vmem>>) target(%dma_start3A_306 : memref<1x10000xf32, #tpu.memory_space<hbm>>) target_semaphore(%arg17 : memref<!tpu.dma_semaphore, #tpu.memory_space<semaphore_mem>>)
    %dma_wait3A_307 = arith.constant 0 : i32
    %dma_wait3A_308 = tpu.memref_slice %arg4[%add3A_292, %dma_wait3A_307] : memref<512x10000xf32, #tpu.memory_space<hbm>> -> memref<1x10000xf32, #tpu.memory_space<hbm>>
    %dma_wait3A_309 = arith.constant 0 : i32
    %dma_wait3A_310 = tpu.memref_slice %arg4[%add3A_292, %dma_wait3A_309] : memref<512x10000xf32, #tpu.memory_space<hbm>> -> memref<1x10000xf32, #tpu.memory_space<hbm>>
    tpu.wait_dma2 semaphore(%arg16 : memref<!tpu.dma_semaphore, #tpu.memory_space<semaphore_mem>>) src(%arg8 : memref<1x10000xf32, #tpu.memory_space<vmem>>) dst(%dma_wait3A_310 : memref<1x10000xf32, #tpu.memory_space<hbm>>)
    %dma_wait3A_311 = arith.constant 0 : i32
    %dma_wait3A_312 = tpu.memref_slice %arg4[%add3A_302, %dma_wait3A_311] : memref<512x10000xf32, #tpu.memory_space<hbm>> -> memref<1x10000xf32, #tpu.memory_space<hbm>>
    %dma_wait3A_313 = arith.constant 0 : i32
    %dma_wait3A_314 = tpu.memref_slice %arg4[%add3A_302, %dma_wait3A_313] : memref<512x10000xf32, #tpu.memory_space<hbm>> -> memref<1x10000xf32, #tpu.memory_space<hbm>>
    tpu.wait_dma2 semaphore(%arg17 : memref<!tpu.dma_semaphore, #tpu.memory_space<semaphore_mem>>) src(%arg9 : memref<1x10000xf32, #tpu.memory_space<vmem>>) dst(%dma_wait3A_314 : memref<1x10000xf32, #tpu.memory_space<hbm>>)
    return
  }
}

module attributes {stable_mosaic.version = 14 : i64} {
  func.func @_kernel_a(%arg0: i32, %arg1: memref<1536xi32, #tpu.memory_space<smem>>, %arg2: memref<1536xi32, #tpu.memory_space<smem>>, %arg3: memref<26xi32, #tpu.memory_space<smem>>, %arg4: memref<10000x128xf32, #tpu.memory_space<vmem>>, %arg5: memref<128x128xf32, #tpu.memory_space<vmem>>, %arg6: memref<1x128xf32, #tpu.memory_space<vmem>>, %arg7: memref<128x64xf32, #tpu.memory_space<vmem>>, %arg8: memref<400x10000xf32, #tpu.memory_space<vmem>>, %arg9: memref<400x64xf32, #tpu.memory_space<vmem>>, %arg10: memref<1536x10000xf32, #tpu.memory_space<any>>, %arg11: memref<10000x128xf32, #tpu.memory_space<vmem>>, %arg12: memref<!tpu.dma_semaphore, #tpu.memory_space<semaphore_mem>>) attributes {dimension_semantics = [#tpu.dimension_semantics<arbitrary>], iteration_bounds = array<i64: 25>, scalar_prefetch = 3 : i64, scratch_operands = 2 : i64, tpu.core_type = #tpu.core_type<tc>, window_params = [{pipeline_mode = #tpu.pipeline_mode<synchronous>, transform_indices = @transform_0, window_bounds = array<i64: 10000, 128>}, {pipeline_mode = #tpu.pipeline_mode<synchronous>, transform_indices = @transform_1, window_bounds = array<i64: 128, 128>}, {pipeline_mode = #tpu.pipeline_mode<synchronous>, transform_indices = @transform_2, window_bounds = array<i64: 1, 128>}, {pipeline_mode = #tpu.pipeline_mode<synchronous>, transform_indices = @transform_3, window_bounds = array<i64: 128, 64>}, {transform_indices = @transform_4, window_bounds = array<i64: 400, 10000>}, {transform_indices = @transform_5, window_bounds = array<i64: 400, 64>}, {}]} {
    %get3A = arith.index_cast %arg0 : i32 to index
    %get3A_0 = memref.load %arg3[%get3A] : memref<26xi32, #tpu.memory_space<smem>>
    %add3A = arith.constant 1 : i32
    %add3A_1 = arith.addi %arg0, %add3A : i32
    %get3A_2 = arith.index_cast %add3A_1 : i32 to index
    %get3A_3 = memref.load %arg3[%get3A_2] : memref<26xi32, #tpu.memory_space<smem>>
    %while3A = arith.constant 0 : i32
    %while3A_4 = arith.subi %get3A_3, %get3A_0 : i32
    %while3A_5 = arith.addi %get3A_0, %while3A_4 : i32
    %while3A_6 = arith.constant 1 : i32
    %while3A_7 = arith.divsi %while3A_4, %while3A_6 : i32
    %while3A_8 = arith.muli %while3A_7, %while3A_6 : i32
    %while3A_9 = arith.addi %get3A_0, %while3A_8 : i32
    %while3A_10 = arith.constant 1 : i32
    scf.for %while3A_44 = %get3A_0 to %while3A_9 step %while3A_10  : i32 {
      %get3A_45 = arith.index_cast %while3A_44 : i32 to index
      %get3A_46 = memref.load %arg1[%get3A_45] : memref<1536xi32, #tpu.memory_space<smem>>
      %mul3A = arith.constant 400 : i32
      %mul3A_47 = arith.muli %arg0, %mul3A : i32
      %sub3A = arith.subi %get3A_46, %mul3A_47 : i32
      %get3A_48 = arith.index_cast %while3A_44 : i32 to index
      %get3A_49 = memref.load %arg2[%get3A_48] : memref<1536xi32, #tpu.memory_space<smem>>
      %dma_start3A = arith.constant 0 : i32
      %dma_start3A_50 = tpu.memref_slice %arg10[%get3A_49, %dma_start3A] : memref<1536x10000xf32, #tpu.memory_space<any>> -> memref<1x10000xf32, #tpu.memory_space<any>>
      %dma_start3A_51 = arith.constant 0 : i32
      %dma_start3A_52 = tpu.memref_slice %arg8[%sub3A, %dma_start3A_51] : memref<400x10000xf32, #tpu.memory_space<vmem>> -> memref<1x10000xf32, #tpu.memory_space<vmem>>
      tpu.enqueue_dma source(%dma_start3A_52 : memref<1x10000xf32, #tpu.memory_space<vmem>>) target(%dma_start3A_50 : memref<1x10000xf32, #tpu.memory_space<any>>) target_semaphore(%arg12 : memref<!tpu.dma_semaphore, #tpu.memory_space<semaphore_mem>>)
    }
    %while3A_11 = arith.constant 1 : i32
    scf.for %while3A_44 = %while3A_9 to %while3A_5 step %while3A_11  : i32 {
      %get3A_45 = arith.index_cast %while3A_44 : i32 to index
      %get3A_46 = memref.load %arg1[%get3A_45] : memref<1536xi32, #tpu.memory_space<smem>>
      %mul3A = arith.constant 400 : i32
      %mul3A_47 = arith.muli %arg0, %mul3A : i32
      %sub3A = arith.subi %get3A_46, %mul3A_47 : i32
      %get3A_48 = arith.index_cast %while3A_44 : i32 to index
      %get3A_49 = memref.load %arg2[%get3A_48] : memref<1536xi32, #tpu.memory_space<smem>>
      %dma_start3A = arith.constant 0 : i32
      %dma_start3A_50 = tpu.memref_slice %arg10[%get3A_49, %dma_start3A] : memref<1536x10000xf32, #tpu.memory_space<any>> -> memref<1x10000xf32, #tpu.memory_space<any>>
      %dma_start3A_51 = arith.constant 0 : i32
      %dma_start3A_52 = tpu.memref_slice %arg8[%sub3A, %dma_start3A_51] : memref<400x10000xf32, #tpu.memory_space<vmem>> -> memref<1x10000xf32, #tpu.memory_space<vmem>>
      tpu.enqueue_dma source(%dma_start3A_52 : memref<1x10000xf32, #tpu.memory_space<vmem>>) target(%dma_start3A_50 : memref<1x10000xf32, #tpu.memory_space<any>>) target_semaphore(%arg12 : memref<!tpu.dma_semaphore, #tpu.memory_space<semaphore_mem>>)
    }
    %eq3A = arith.constant 0 : i32
    %eq3A_12 = arith.cmpi eq, %arg0, %eq3A : i32
    %convert_element_type3A = arith.extui %eq3A_12 : i1 to i32
    %cond3A = arith.constant 0 : i32
    %cond3A_13 = arith.cmpi ne, %convert_element_type3A, %cond3A : i32
    scf.if %cond3A_13 {
      %get3A_44 = arith.constant 0 : index
      %get3A_45 = arith.constant 0 : index
      %get3A_46 = vector.load %arg4[%get3A_44, %get3A_45] : memref<10000x128xf32, #tpu.memory_space<vmem>>, vector<10000x128xf32>
      %get3A_47 = arith.constant 0 : index
      %get3A_48 = arith.constant 0 : index
      %get3A_49 = vector.load %arg5[%get3A_47, %get3A_48] : memref<128x128xf32, #tpu.memory_space<vmem>>, vector<128x128xf32>
      %dot_general3A_50 = arith.constant dense<0.000000e+00> : vector<10000x128xf32>
      %dot_general3A_51 = tpu.matmul %get3A_46, %get3A_49, %dot_general3A_50 {dimension_numbers = #tpu.dot_dimension_numbers<[1], [0], [0], [1], [0, 0, 1, 1], [], []>, transpose_lhs_hint = false} : vector<10000x128xf32>, vector<128x128xf32>, vector<10000x128xf32> -> vector<10000x128xf32>
      %swap3A_52 = arith.constant 0 : index
      %swap3A_53 = arith.constant 0 : index
      %swap3A_54 = vector.load %arg11[%swap3A_52, %swap3A_53] : memref<10000x128xf32, #tpu.memory_space<vmem>>, vector<10000x128xf32>
      tpu.vector_store %arg11[%swap3A_52, %swap3A_53], %dot_general3A_51 {strides = array<i32>} : memref<10000x128xf32, #tpu.memory_space<vmem>>, vector<10000x128xf32>,
    } else {
    }
    %get3A_14 = arith.constant 0 : index
    %get3A_15 = arith.constant 0 : index
    %get3A_16 = vector.load %arg8[%get3A_14, %get3A_15] : memref<400x10000xf32, #tpu.memory_space<vmem>>, vector<400x10000xf32>
    %get3A_17 = arith.constant 0 : index
    %get3A_18 = arith.constant 0 : index
    %get3A_19 = vector.load %arg11[%get3A_17, %get3A_18] : memref<10000x128xf32, #tpu.memory_space<vmem>>, vector<10000x128xf32>
    %dot_general3A = arith.constant dense<0.000000e+00> : vector<400x128xf32>
    %dot_general3A_20 = tpu.matmul %get3A_16, %get3A_19, %dot_general3A {dimension_numbers = #tpu.dot_dimension_numbers<[1], [0], [0], [1], [0, 0, 1, 1], [], []>, transpose_lhs_hint = false} : vector<400x10000xf32>, vector<10000x128xf32>, vector<400x128xf32> -> vector<400x128xf32>
    %get3A_21 = arith.constant 0 : index
    %get3A_22 = arith.constant 0 : index
    %get3A_23 = vector.load %arg6[%get3A_21, %get3A_22] : memref<1x128xf32, #tpu.memory_space<vmem>>, vector<1x128xf32>
    %add3A_24 = vector.broadcast %get3A_23 : vector<1x128xf32> to vector<400x128xf32>
    %add3A_25 = arith.addf %dot_general3A_20, %add3A_24 : vector<400x128xf32>
    %max3A = arith.constant 0.000000e+00 : f32
    %max3A_26 = vector.broadcast %max3A : f32 to vector<400x128xf32>
    %max3A_27 = arith.maximumf %add3A_25, %max3A_26 : vector<400x128xf32>
    %get3A_28 = arith.constant 0 : index
    %get3A_29 = arith.constant 0 : index
    %get3A_30 = vector.load %arg7[%get3A_28, %get3A_29] : memref<128x64xf32, #tpu.memory_space<vmem>>, vector<128x64xf32>
    %dot_general3A_31 = arith.constant dense<0.000000e+00> : vector<400x64xf32>
    %dot_general3A_32 = tpu.matmul %max3A_27, %get3A_30, %dot_general3A_31 {dimension_numbers = #tpu.dot_dimension_numbers<[1], [0], [0], [1], [0, 0, 1, 1], [], []>, transpose_lhs_hint = false} : vector<400x128xf32>, vector<128x64xf32>, vector<400x64xf32> -> vector<400x64xf32>
    %swap3A = arith.constant 0 : index
    %swap3A_33 = arith.constant 0 : index
    %swap3A_34 = vector.load %arg9[%swap3A, %swap3A_33] : memref<400x64xf32, #tpu.memory_space<vmem>>, vector<400x64xf32>
    tpu.vector_store %arg9[%swap3A, %swap3A_33], %dot_general3A_32 {strides = array<i32>} : memref<400x64xf32, #tpu.memory_space<vmem>>, vector<400x64xf32>,
    %while3A_35 = arith.constant 0 : i32
    %while3A_36 = arith.subi %get3A_3, %get3A_0 : i32
    %while3A_37 = arith.addi %get3A_0, %while3A_36 : i32
    %while3A_38 = arith.constant 1 : i32
    %while3A_39 = arith.divsi %while3A_36, %while3A_38 : i32
    %while3A_40 = arith.muli %while3A_39, %while3A_38 : i32
    %while3A_41 = arith.addi %get3A_0, %while3A_40 : i32
    %while3A_42 = arith.constant 1 : i32
    scf.for %while3A_44 = %get3A_0 to %while3A_41 step %while3A_42  : i32 {
      %dma_wait3A = arith.constant 0 : i32
      %dma_wait3A_45 = arith.constant 0 : i32
      %dma_wait3A_46 = tpu.memref_slice %arg10[%dma_wait3A, %dma_wait3A_45] : memref<1536x10000xf32, #tpu.memory_space<any>> -> memref<1x10000xf32, #tpu.memory_space<any>>
      %dma_wait3A_47 = arith.constant 0 : i32
      %dma_wait3A_48 = arith.constant 0 : i32
      %dma_wait3A_49 = tpu.memref_slice %arg8[%dma_wait3A_47, %dma_wait3A_48] : memref<400x10000xf32, #tpu.memory_space<vmem>> -> memref<1x10000xf32, #tpu.memory_space<vmem>>
      tpu.wait_dma2 semaphore(%arg12 : memref<!tpu.dma_semaphore, #tpu.memory_space<semaphore_mem>>) src(%dma_wait3A_49 : memref<1x10000xf32, #tpu.memory_space<vmem>>) dst(%dma_wait3A_46 : memref<1x10000xf32, #tpu.memory_space<any>>)
    }
    %while3A_43 = arith.constant 1 : i32
    scf.for %while3A_44 = %while3A_41 to %while3A_37 step %while3A_43  : i32 {
      %dma_wait3A = arith.constant 0 : i32
      %dma_wait3A_45 = arith.constant 0 : i32
      %dma_wait3A_46 = tpu.memref_slice %arg10[%dma_wait3A, %dma_wait3A_45] : memref<1536x10000xf32, #tpu.memory_space<any>> -> memref<1x10000xf32, #tpu.memory_space<any>>
      %dma_wait3A_47 = arith.constant 0 : i32
      %dma_wait3A_48 = arith.constant 0 : i32
      %dma_wait3A_49 = tpu.memref_slice %arg8[%dma_wait3A_47, %dma_wait3A_48] : memref<400x10000xf32, #tpu.memory_space<vmem>> -> memref<1x10000xf32, #tpu.memory_space<vmem>>
      tpu.wait_dma2 semaphore(%arg12 : memref<!tpu.dma_semaphore, #tpu.memory_space<semaphore_mem>>) src(%dma_wait3A_49 : memref<1x10000xf32, #tpu.memory_space<vmem>>) dst(%dma_wait3A_46 : memref<1x10000xf32, #tpu.memory_space<any>>)
    }
    return
  }
  func.func @transform_0(%arg0: i32, %arg1: memref<1536xi32, #tpu.memory_space<smem>>, %arg2: memref<1536xi32, #tpu.memory_space<smem>>, %arg3: memref<26xi32, #tpu.memory_space<smem>>) -> (i32, i32) {
    %c0_i32 = arith.constant 0 : i32
    %c0_i32_0 = arith.constant 0 : i32
    %c0_i32_1 = arith.constant 0 : i32
    return %c0_i32, %c0_i32_0 : i32, i32
  }
  func.func @transform_1(%arg0: i32, %arg1: memref<1536xi32, #tpu.memory_space<smem>>, %arg2: memref<1536xi32, #tpu.memory_space<smem>>, %arg3: memref<26xi32, #tpu.memory_space<smem>>) -> (i32, i32) {
    %c0_i32 = arith.constant 0 : i32
    %c0_i32_0 = arith.constant 0 : i32
    %c0_i32_1 = arith.constant 0 : i32
    return %c0_i32, %c0_i32_0 : i32, i32
  }
  func.func @transform_2(%arg0: i32, %arg1: memref<1536xi32, #tpu.memory_space<smem>>, %arg2: memref<1536xi32, #tpu.memory_space<smem>>, %arg3: memref<26xi32, #tpu.memory_space<smem>>) -> (i32, i32) {
    %c0_i32 = arith.constant 0 : i32
    %c0_i32_0 = arith.constant 0 : i32
    %c0_i32_1 = arith.constant 0 : i32
    return %c0_i32, %c0_i32_0 : i32, i32
  }
  func.func @transform_3(%arg0: i32, %arg1: memref<1536xi32, #tpu.memory_space<smem>>, %arg2: memref<1536xi32, #tpu.memory_space<smem>>, %arg3: memref<26xi32, #tpu.memory_space<smem>>) -> (i32, i32) {
    %c0_i32 = arith.constant 0 : i32
    %c0_i32_0 = arith.constant 0 : i32
    %c0_i32_1 = arith.constant 0 : i32
    return %c0_i32, %c0_i32_0 : i32, i32
  }
  func.func @transform_4(%arg0: i32, %arg1: memref<1536xi32, #tpu.memory_space<smem>>, %arg2: memref<1536xi32, #tpu.memory_space<smem>>, %arg3: memref<26xi32, #tpu.memory_space<smem>>) -> (i32, i32) {
    %c0_i32 = arith.constant 0 : i32
    %c0_i32_0 = arith.constant 0 : i32
    return %arg0, %c0_i32 : i32, i32
  }
  func.func @transform_5(%arg0: i32, %arg1: memref<1536xi32, #tpu.memory_space<smem>>, %arg2: memref<1536xi32, #tpu.memory_space<smem>>, %arg3: memref<26xi32, #tpu.memory_space<smem>>) -> (i32, i32) {
    %c0_i32 = arith.constant 0 : i32
    %c0_i32_0 = arith.constant 0 : i32
    return %arg0, %c0_i32 : i32, i32
  }
}

module attributes {stable_mosaic.version = 14 : i64} {
  func.func @_kernel_b(%arg0: i32, %arg1: memref<256x10000xf32, #tpu.memory_space<vmem>>, %arg2: memref<256x10000xf32, #tpu.memory_space<vmem>>, %arg3: memref<10000x64xf32, #tpu.memory_space<vmem>>, %arg4: memref<1x64xf32, #tpu.memory_space<vmem>>, %arg5: memref<64x64xf32, #tpu.memory_space<vmem>>, %arg6: memref<1024x1024xf32, #tpu.memory_space<vmem>>, %arg7: memref<2048x64xf32, #tpu.memory_space<vmem>>) attributes {dimension_semantics = [#tpu.dimension_semantics<arbitrary>], iteration_bounds = array<i64: 9>, scalar_prefetch = 0 : i64, scratch_operands = 1 : i64, tpu.core_type = #tpu.core_type<tc>, window_params = [{transform_indices = @transform_0, window_bounds = array<i64: 256, 10000>}, {transform_indices = @transform_1, window_bounds = array<i64: 256, 10000>}, {pipeline_mode = #tpu.pipeline_mode<synchronous>, transform_indices = @transform_2, window_bounds = array<i64: 10000, 64>}, {pipeline_mode = #tpu.pipeline_mode<synchronous>, transform_indices = @transform_3, window_bounds = array<i64: 1, 64>}, {pipeline_mode = #tpu.pipeline_mode<synchronous>, transform_indices = @transform_4, window_bounds = array<i64: 64, 64>}, {pipeline_mode = #tpu.pipeline_mode<synchronous>, transform_indices = @transform_5, window_bounds = array<i64: 1024, 1024>}]} {
    %lt3A = arith.constant 4 : i32
    %lt3A_0 = arith.cmpi slt, %arg0, %lt3A : i32
    %add3A = arith.constant 2 : i32
    %add3A_1 = arith.addi %arg0, %add3A : i32
    %select_n3A = arith.select %lt3A_0, %arg0, %add3A_1 : i32
    %lt3A_2 = arith.constant 6 : i32
    %lt3A_3 = arith.cmpi slt, %arg0, %lt3A_2 : i32
    %convert_element_type3A = arith.extui %lt3A_3 : i1 to i32
    %cond3A = arith.constant 0 : i32
    %cond3A_4 = arith.cmpi ne, %convert_element_type3A, %cond3A : i32
    scf.if %cond3A_4 {
      %get3A = arith.constant 0 : index
      %get3A_15 = arith.constant 0 : index
      %get3A_16 = vector.load %arg1[%get3A, %get3A_15] : memref<256x10000xf32, #tpu.memory_space<vmem>>, vector<256x10000xf32>
      %get3A_17 = arith.constant 0 : index
      %get3A_18 = arith.constant 0 : index
      %get3A_19 = vector.load %arg3[%get3A_17, %get3A_18] : memref<10000x64xf32, #tpu.memory_space<vmem>>, vector<10000x64xf32>
      %dot_general3A = arith.constant dense<0.000000e+00> : vector<256x64xf32>
      %dot_general3A_20 = tpu.matmul %get3A_16, %get3A_19, %dot_general3A {dimension_numbers = #tpu.dot_dimension_numbers<[1], [0], [0], [1], [0, 0, 1, 1], [], []>, transpose_lhs_hint = false} : vector<256x10000xf32>, vector<10000x64xf32>, vector<256x64xf32> -> vector<256x64xf32>
      %get3A_21 = arith.constant 0 : index
      %get3A_22 = arith.constant 0 : index
      %get3A_23 = vector.load %arg4[%get3A_21, %get3A_22] : memref<1x64xf32, #tpu.memory_space<vmem>>, vector<1x64xf32>
      %add3A_24 = vector.broadcast %get3A_23 : vector<1x64xf32> to vector<256x64xf32>
      %add3A_25 = arith.addf %dot_general3A_20, %add3A_24 : vector<256x64xf32>
      %mul3A = arith.constant 256 : i32
      %mul3A_26 = arith.muli %select_n3A, %mul3A : i32
      %swap3A = arith.index_cast %mul3A_26 : i32 to index
      %swap3A_27 = arith.constant 0 : index
      %swap3A_28 = vector.load %arg7[%swap3A, %swap3A_27] : memref<2048x64xf32, #tpu.memory_space<vmem>>, vector<256x64xf32>
      tpu.vector_store %arg7[%swap3A, %swap3A_27], %add3A_25 {strides = array<i32>} : memref<2048x64xf32, #tpu.memory_space<vmem>>, vector<256x64xf32>,
    } else {
    }
    %ge3A = arith.constant 6 : i32
    %ge3A_5 = arith.cmpi sge, %arg0, %ge3A : i32
    %lt3A_6 = arith.constant 8 : i32
    %lt3A_7 = arith.cmpi slt, %arg0, %lt3A_6 : i32
    %and3A = arith.andi %ge3A_5, %lt3A_7 : i1
    %convert_element_type3A_8 = arith.extui %and3A : i1 to i32
    %cond3A_9 = arith.constant 0 : i32
    %cond3A_10 = arith.cmpi ne, %convert_element_type3A_8, %cond3A_9 : i32
    scf.if %cond3A_10 {
      %get3A = arith.constant 0 : index
      %get3A_15 = arith.constant 0 : index
      %get3A_16 = vector.load %arg2[%get3A, %get3A_15] : memref<256x10000xf32, #tpu.memory_space<vmem>>, vector<256x10000xf32>
      %get3A_17 = arith.constant 0 : index
      %get3A_18 = arith.constant 0 : index
      %get3A_19 = vector.load %arg3[%get3A_17, %get3A_18] : memref<10000x64xf32, #tpu.memory_space<vmem>>, vector<10000x64xf32>
      %dot_general3A = arith.constant dense<0.000000e+00> : vector<256x64xf32>
      %dot_general3A_20 = tpu.matmul %get3A_16, %get3A_19, %dot_general3A {dimension_numbers = #tpu.dot_dimension_numbers<[1], [0], [0], [1], [0, 0, 1, 1], [], []>, transpose_lhs_hint = false} : vector<256x10000xf32>, vector<10000x64xf32>, vector<256x64xf32> -> vector<256x64xf32>
      %get3A_21 = arith.constant 0 : index
      %get3A_22 = arith.constant 0 : index
      %get3A_23 = vector.load %arg4[%get3A_21, %get3A_22] : memref<1x64xf32, #tpu.memory_space<vmem>>, vector<1x64xf32>
      %add3A_24 = vector.broadcast %get3A_23 : vector<1x64xf32> to vector<256x64xf32>
      %add3A_25 = arith.addf %dot_general3A_20, %add3A_24 : vector<256x64xf32>
      %sub3A = arith.constant 6 : i32
      %sub3A_26 = arith.subi %arg0, %sub3A : i32
      %add3A_27 = arith.constant 4 : i32
      %add3A_28 = arith.addi %sub3A_26, %add3A_27 : i32
      %mul3A = arith.constant 256 : i32
      %mul3A_29 = arith.muli %add3A_28, %mul3A : i32
      %swap3A = arith.index_cast %mul3A_29 : i32 to index
      %swap3A_30 = arith.constant 0 : index
      %swap3A_31 = vector.load %arg7[%swap3A, %swap3A_30] : memref<2048x64xf32, #tpu.memory_space<vmem>>, vector<256x64xf32>
      tpu.vector_store %arg7[%swap3A, %swap3A_30], %add3A_25 {strides = array<i32>} : memref<2048x64xf32, #tpu.memory_space<vmem>>, vector<256x64xf32>,
    } else {
    }
    %eq3A = arith.constant 8 : i32
    %eq3A_11 = arith.cmpi eq, %arg0, %eq3A : i32
    %convert_element_type3A_12 = arith.extui %eq3A_11 : i1 to i32
    %cond3A_13 = arith.constant 0 : i32
    %cond3A_14 = arith.cmpi ne, %convert_element_type3A_12, %cond3A_13 : i32
    scf.if %cond3A_14 {
      %get3A = arith.constant 0 : index
      %get3A_15 = arith.constant 0 : index
      %get3A_16 = vector.load %arg7[%get3A, %get3A_15] : memref<2048x64xf32, #tpu.memory_space<vmem>>, vector<1024x64xf32>
      %get3A_17 = arith.constant 1024 : index
      %get3A_18 = arith.constant 0 : index
      %get3A_19 = vector.load %arg7[%get3A_17, %get3A_18] : memref<2048x64xf32, #tpu.memory_space<vmem>>, vector<1024x64xf32>
      %get3A_20 = arith.constant 0 : index
      %get3A_21 = arith.constant 0 : index
      %get3A_22 = vector.load %arg5[%get3A_20, %get3A_21] : memref<64x64xf32, #tpu.memory_space<vmem>>, vector<64x64xf32>
      %dot_general3A = arith.constant dense<0.000000e+00> : vector<1024x64xf32>
      %dot_general3A_23 = tpu.matmul %get3A_16, %get3A_22, %dot_general3A {dimension_numbers = #tpu.dot_dimension_numbers<[1], [1], [0], [0], [0, 0, 1, 0], [], []>, transpose_lhs_hint = false} : vector<1024x64xf32>, vector<64x64xf32>, vector<1024x64xf32> -> vector<1024x64xf32>
      %dot_general3A_24 = arith.constant dense<0.000000e+00> : vector<1024x1024xf32>
      %dot_general3A_25 = tpu.matmul %dot_general3A_23, %get3A_19, %dot_general3A_24 {dimension_numbers = #tpu.dot_dimension_numbers<[1], [1], [0], [0], [0, 0, 1, 0], [], []>, transpose_lhs_hint = false} : vector<1024x64xf32>, vector<1024x64xf32>, vector<1024x1024xf32> -> vector<1024x1024xf32>
      %logistic3A = arith.negf %dot_general3A_25 : vector<1024x1024xf32>
      %logistic3A_26 = math.exp %logistic3A : vector<1024x1024xf32>
      %logistic3A_27 = arith.constant 1.000000e+00 : f32
      %logistic3A_28 = vector.broadcast %logistic3A_27 : f32 to vector<1024x1024xf32>
      %logistic3A_29 = arith.addf %logistic3A_28, %logistic3A_26 : vector<1024x1024xf32>
      %logistic3A_30 = arith.divf %logistic3A_28, %logistic3A_29 : vector<1024x1024xf32>
      %swap3A = arith.constant 0 : index
      %swap3A_31 = arith.constant 0 : index
      %swap3A_32 = vector.load %arg6[%swap3A, %swap3A_31] : memref<1024x1024xf32, #tpu.memory_space<vmem>>, vector<1024x1024xf32>
      tpu.vector_store %arg6[%swap3A, %swap3A_31], %logistic3A_30 {strides = array<i32>} : memref<1024x1024xf32, #tpu.memory_space<vmem>>, vector<1024x1024xf32>,
    } else {
    }
    return
  }
  func.func @transform_0(%arg0: i32) -> (i32, i32) {
    %min3A = arith.constant 5 : i32
    %min3A_0 = arith.minsi %arg0, %min3A : i32
    %c0_i32 = arith.constant 0 : i32
    %c0_i32_1 = arith.constant 0 : i32
    return %min3A_0, %c0_i32 : i32, i32
  }
  func.func @transform_1(%arg0: i32) -> (i32, i32) {
    %sub3A = arith.constant 6 : i32
    %sub3A_0 = arith.subi %arg0, %sub3A : i32
    %jit3A = arith.constant 0 : i32
    %jit3A_1 = arith.constant 1 : i32
    %max3A = arith.maxsi %jit3A, %sub3A_0 : i32
    %min3A = arith.minsi %jit3A_1, %max3A : i32
    %c0_i32 = arith.constant 0 : i32
    %c0_i32_2 = arith.constant 0 : i32
    return %min3A, %c0_i32 : i32, i32
  }
  func.func @transform_2(%arg0: i32) -> (i32, i32) {
    %c0_i32 = arith.constant 0 : i32
    %c0_i32_0 = arith.constant 0 : i32
    %c0_i32_1 = arith.constant 0 : i32
    return %c0_i32, %c0_i32_0 : i32, i32
  }
  func.func @transform_3(%arg0: i32) -> (i32, i32) {
    %c0_i32 = arith.constant 0 : i32
    %c0_i32_0 = arith.constant 0 : i32
    %c0_i32_1 = arith.constant 0 : i32
    return %c0_i32, %c0_i32_0 : i32, i32
  }
  func.func @transform_4(%arg0: i32) -> (i32, i32) {
    %c0_i32 = arith.constant 0 : i32
    %c0_i32_0 = arith.constant 0 : i32
    %c0_i32_1 = arith.constant 0 : i32
    return %c0_i32, %c0_i32_0 : i32, i32
  }
  func.func @transform_5(%arg0: i32) -> (i32, i32) {
    %c0_i32 = arith.constant 0 : i32
    %c0_i32_0 = arith.constant 0 : i32
    %c0_i32_1 = arith.constant 0 : i32
    return %c0_i32, %c0_i32_0 : i32, i32
  }
}

</mosaic_0001>

<sc_bundles>
// kernel: gather_offload_async_start
scs
__scs_entry_jumppad:
0x0: {  	(pc) =	sbr.rel $0x88, $3  }
0x1: {  	(tag) =	ssettag $0x0;
	lr =	simm.s32 $0x1  }
0x2: {  	[smem:$0x3F98] =	sst lr;
	_ =	strace $0xD0000000  }
0x3: {  	_ = 	snop  }
0x4: {  	_ = 	snop  }
0x5: {  	_ = 	snop  }
0x6: {  	_ = 	snop  }
0x7: {  	_ = 	snop  }
__scs_overlays_trampoline_lowered:
0x8: {  	[smem:$0x3FA7] =	sst s0  }
0x9: {  	[smem:$0x3FA8] =	sst s1  }
0xa: {  	[smem:$0x3FA9] =	sst s2  }
0xb: {  	[smem:$0x3FAA] =	sst s3  }
0xc: {  	[smem:$0x3FAB] =	sst s4  }
0xd: {  	[smem:$0x3FAC] =	sst s5  }
0xe: {  	[smem:$0x3FAD] =	sst s6  }
0xf: {  	[smem:$0x3FAE] =	sst s7  }
0x10: {  	[smem:$0x3FAF] =	sst s8  }
0x11: {  	[smem:$0x3FB0] =	sst s9;
	s0 =	simm.s32 @!p0 $0x0  }
0x12: {  	s1 =	sld [smem:$0x3F96];
	s0 =	simm.s32 @p0 $0x1  }
0x13: {  	[smem:$0x3FB1] =	sst s0;
	s0 =	simm.s32 @!p1 $0x0  }
0x14: {  	s2 =	sld [smem:$0x3F95];
	s0 =	simm.s32 @p1 $0x1  }
0x15: {  	[smem:$0x3FB2] =	sst s0;
	s0 =	simm.s32 @!p2 $0x0  }
0x16: {  	s3 =	sld [smem:$0x3FDB];
	s0 =	simm.s32 @p2 $0x1  }
0x17: {  	s4 =	simm.s32 $0x1BF5;
	[smem:$0x3FB4] =	sst s0  }
0x18: {  	s0 =	sld [smem:$0x3F97];
	_ =	swait.ge [sflag:s4], $0x0  }
0x19: {  	s7 =	sld [smem:$0x3F98]  }
0x1a: {  	s8 =	sadd.s32 $0xFFFFE003, lr  }
0x1b: {  	s9 =	sadd.s32 $0xFFFFFEF7, lr;
	s5 =	simm.s32 $0xFFFFFFFF;
	p2 =	slt.u32 s8, $0xFFFFF086  }
0x1c: {  	p1 =	slt.u32 s9, $0xF7A;
	s5 =	simm.s32 @!p2 $0x0  }
0x1d: {  	s5 =	simm.s32 @p1 $0x1;
	p0 =	seq.s32 s7, s2  }
0x1e: {  	s7 =	smul.u32 @!p0 $0xF7A, s2;
	p2 =	seq.s32 @!p0 s5, $0x0  }
0x1f: {  	s9 =	smul.u32 $0xF7A, s1;
	s8 =	simm.s32 @!p0 $0x1BF5;
	p2 =	por !p2, p0  }
0x20: {  	[sflag:s8] =	ssyncset.s32 @!p0 $0xFFFFF086;
	s6 =	sadd.s32 @!p0 s3, s7;
	s7 =	simm.s32 @!p0 $0x108  }
0x21: {  	s3 =	sadd.s32 s3, s9;
	s6 =	sadd.s32 @!p0 $0x88, s6;
	s7 =	simm.s32 @p2 $0x1082  }
0x22: {  	[simem:s7], [sflag:s8] =	dma.local @!p0 [hbm:s6], $0xF7A  }
0x23: {  	s9 =	sor.u32 $0xD0000000, s2;
	s6 =	simm.s32 $0x108;
	_ =	swait.ge @!p0 [sflag:s8], $0x0  }
0x24: {  	s3 =	sadd.s32 $0x88, s3;
	s6 =	simm.s32 @!p1 $0x1082;
	[sflag:s4] =	ssyncset.s32 $0xFFFFF086  }
0x25: {  	[simem:s6], [sflag:s4] =	dma.local [hbm:s3], $0xF7A  }
0x26: {  	[smem:$0x3F98] =	sst s1;
	(tag) =	ssettag s2;
	_ =	strace s9  }
0x27: {  	s1 =	sld [smem:$0x3FA8]  }
0x28: {  	s2 =	sld [smem:$0x3FA9]  }
0x29: {  	s4 =	sld [smem:$0x3FAB]  }
0x2a: {  	p0 =	seq.s32 s5, $0x0;
	s5 =	sld [smem:$0x3FAC]  }
0x2b: {  	s6 =	sld [smem:$0x3FAD]  }
0x2c: {  	s7 =	sld [smem:$0x3FAE]  }
0x2d: {  	s3 =	simm.s32 $0x108;
	s8 =	sld [smem:$0x3FAF]  }
0x2e: {  	s3 =	simm.s32 @!p0 $0x1082;
	s9 =	sld [smem:$0x3FB0]  }
0x2f: {  	lr =	sadd.s32 s0, s3;
	s0 =	sld [smem:$0x3FA7]  }
0x30: {  	s3 =	sld [smem:$0x3FAA]  }
0x31: {  	[smem:$0x3FB3] =	sst s10  }
0x32: {  	s10 =	sld [smem:$0x3FB1];
	_ =	sdelay $0x3  }
0x33: {  	p0 =	seq.s32 s10, $0x1;
	s10 =	sld [smem:$0x3FB3];
	_ =	sdelay $0x3  }
0x34: {  	[smem:$0x3FB3] =	sst s10  }
0x35: {  	s10 =	sld [smem:$0x3FB2];
	_ =	sdelay $0x3  }
0x36: {  	p1 =	seq.s32 s10, $0x1;
	s10 =	sld [smem:$0x3FB3];
	_ =	sdelay $0x3  }
0x37: {  	[smem:$0x3FB3] =	sst s10  }
0x38: {  	s10 =	sld [smem:$0x3FB4]  }
0x39: {  	_ = 	snop;
	(pc) =	sbr.ind lr, $3  }
0x3a: {  	_ = 	snop  }
0x3b: {  	_ = 	snop  }
0x3c: {  	p2 =	seq.s32 s10, $0x1;
	s10 =	sld [smem:$0x3FB3]  }
0x3d: {  	_ =	shalt  }
0x3e: {  	_ =	shalt  }
0x3f: {  	_ =	shalt  }
0x40: {  	_ =	shalt  }
0x41: {  	_ =	shalt  }
0x42: {  	_ =	shalt  }
0x43: {  	_ =	shalt  }
0x44: {  	_ =	shalt  }
0x45: {  	_ =	shalt  }
0x46: {  	_ =	shalt  }
0x47: {  	_ =	shalt  }
0x48: {  	_ =	shalt  }
0x49: {  	_ =	shalt  }
0x4a: {  	_ =	shalt  }
0x4b: {  	_ =	shalt  }
0x4c: {  	_ =	shalt  }
0x4d: {  	_ =	shalt  }
0x4e: {  	_ =	shalt  }
0x4f: {  	_ =	shalt  }
0x50: {  	_ =	shalt  }
0x51: {  	_ =	shalt  }
0x52: {  	_ =	shalt  }
0x53: {  	_ =	shalt  }
0x54: {  	_ =	shalt  }
0x55: {  	_ =	shalt  }
0x56: {  	_ =	shalt  }
0x57: {  	_ =	shalt  }
0x58: {  	_ =	shalt  }
0x59: {  	_ =	shalt  }
0x5a: {  	_ =	shalt  }
0x5b: {  	_ =	shalt  }
0x5c: {  	_ =	shalt  }
0x5d: {  	_ =	shalt  }
0x5e: {  	_ =	shalt  }
0x5f: {  	_ =	shalt  }
0x60: {  	_ =	shalt  }
0x61: {  	_ =	shalt  }
0x62: {  	_ =	shalt  }
0x63: {  	_ =	shalt  }
0x64: {  	_ =	shalt  }
0x65: {  	_ =	shalt  }
0x66: {  	_ =	shalt  }
0x67: {  	_ =	shalt  }
0x68: {  	_ =	shalt  }
0x69: {  	_ =	shalt  }
0x6a: {  	_ =	shalt  }
0x6b: {  	_ =	shalt  }
0x6c: {  	_ =	shalt  }
0x6d: {  	_ =	shalt  }
0x6e: {  	_ =	shalt  }
0x6f: {  	_ =	shalt  }
0x70: {  	_ =	shalt  }
0x71: {  	_ =	shalt  }
0x72: {  	_ =	shalt  }
0x73: {  	_ =	shalt  }
0x74: {  	_ =	shalt  }
0x75: {  	_ =	shalt  }
0x76: {  	_ =	shalt  }
0x77: {  	_ =	shalt  }
0x78: {  	_ =	shalt  }
0x79: {  	_ =	shalt  }
0x7a: {  	_ =	shalt  }
0x7b: {  	_ =	shalt  }
0x7c: {  	_ =	shalt  }
0x7d: {  	_ =	shalt  }
0x7e: {  	_ =	shalt  }
0x7f: {  	_ =	shalt  }
0x80: {  	_ =	shalt  }
0x81: {  	_ =	shalt  }
0x82: {  	_ =	shalt  }
0x83: {  	_ =	shalt  }
0x84: {  	_ =	shalt  }
0x85: {  	_ =	shalt  }
0x86: {  	_ =	shalt  }
0x87: {  	_ =	shalt  }
.Lfunc_end0:
.L_simem_size_0:
called_computation_lowered:
.L_overlay_start_0:
0x88: {  	s2 =	sld [smem:$0x3FD9]  }
0x89: {  	s3 =	sld [smem:$0x3FFE];
	_ =	sdelay $0x1  }
0x8a: {  	s1 =	srdreg.scid  }
0x8b: {  	s0 =	sand.u32 $0x1, s1  }
0x8c: {  	s16 =	sshll.u32 s0, $0xA;
	s2 =	sadd.s32 s3, s2  }
0x8d: {  	s2 =	sadd.s32 s2, s16  }
0x8e: {  	[smem:$0x3FBF] =	sst s2  }
0x8f: {  	_ = 	snop  }
0x90: {  	(tm) =	ssettm $0x1  }
0x91: {  	s17 =	sld [smem:$0x3FFB];
	_ =	sdelay $0x3  }
0x92: {  	_ =	strace s17  }
0x93: {  	s2 =	sld [smem:$0x3FFC];
	_ =	sdelay $0x3  }
0x94: {  	_ =	strace s2  }
0x95: {  	s2 =	sld [smem:$0x3FFD];
	_ =	sdelay $0x3  }
0x96: {  	_ =	strace s2  }
0x97: {  	_ =	strace $0x8FFFFFFF  }
0x98: {  	s18 =	sld [smem:$0x3FDB];
	_ =	sdelay $0x1  }
0x99: {  	s19 =	simm.s32 $_scs_section_size  }
0x9a: {  	s4 =	simm.s32 $_size__tile_overlayer_lowered;
	s5 =	simm.s32 $_tile_overlayer_lowered  }
0x9b: {  	s22 =	simm.s32 $0x1BFF;
	s21 =	sshll.u32 s5, $0x1;
	s2 =	sadd.s32 s19, s18  }
0x9c: {  	s6 =	simm.s32 $0x0;
	s20 =	sshll.u32 s4, $0x1;
	s4 =	sadd.s32 s21, s2  }
0x9d: {  	[timem:s6], [sflag:s22] =	dma.local [hbm:s4], s20  }
0x9e: {  	_ =	swait.ge [sflag:s22], s20  }
0x9f: {  	s3 =	ssub.s32 $0x0, s20;
	[sflag:s22] =	ssyncset.done $0x0  }
0xa0: {  	[sflag:s22] =	ssyncadd.s32 s3;
	_ =	sdelay $0x1  }
0xa1: {  	s23 =	simm.s32 $0x1B8B  }
0xa2: {  	_ =	swait.ge [sflag:s23], $0x1  }
0xa3: {  	[sflag:s23] =	ssyncset.done $0x0  }
0xa4: {  	s25 =	simm.s32 $0x1B8E;
	s24 =	sld [smem:$0x3FFE];
	[sflag:s23] =	ssyncadd.s32 $0xFFFFFFFF  }
0xa5: {  	s26 =	simm.s32 $execute0_lowered;
	[smem:$0x3FD2] =	sst s25  }
0xa6: {  	s4 =	sshll.u32 s26, $0x1;
	_ =	strace $0x80000046;
	[dreg:$0x1] =	wrdreg $0xFFFFFFFF  }
0xa7: {  	s28 =	simm.s32 $_size_execute0_lowered;
	s2 =	sadd.s32 s2, s4;
	[dreg:$0x0] =	wrdreg $0x0  }
0xa8: {  	s4 =	sshll.u32 s28, $0x1;
	[dreg:$0x2] =	wrdreg s2  }
0xa9: {  	[dreg:$0x3] =	wrdreg s4  }
0xaa: {  	[dreg:$0x4] =	wrdreg $0xC0  }
0xab: {  	_ =	task [dreg:s6], $0x5FFFF  }
0xac: {  	[dreg:$0x1] =	wrdreg $0xFFFFFFFF  }
0xad: {  	[dreg:$0x0] =	wrdreg $0x60  }
0xae: {  	[dreg:$0x2] =	wrdreg s24  }
0xaf: {  	[dreg:$0x3] =	wrdreg $0x9  }
0xb0: {  	_ =	task.clear_ibuf [dreg:s6], $0x4FFFF;
	_ =	strace $0x90000046  }
0xb1: {  	s29 =	simm.s32 $0x9;
	_ =	strace $0x80000048  }
0xb2: {  	_ =	swait.ge [sflag:s29], $0x1  }
0xb3: {  	[sflag:s29] =	ssyncadd.s32 $0xFFFFFFFF  }
0xb4: {  	_ =	strace $0x90000048  }
0xb5: {  	_ =	sfence  }
0xb6: {  	s30 =	sld [smem:$0x0];
	_ =	sdelay $0x2  }
0xb7: {  	s31 =	sshll.u32 s1, $0xD;
	s1 =	sshrl.u32 s1, $0x2  }
0xb8: {  	s3 =	sand.u32 $0x4000, s31;
	s1 =	sadd.s32 s1, s30  }
0xb9: {  	s0 =	sor.u32 s3, s0;
	s1 =	sshll.u32 s1, $0x11  }
0xba: {  	s0 =	sor.u32 s1, s0  }
0xbb: {  	s0 =	sadd.s32 $0x8F2B, s0  }
0xbc: {  	[sflag:s0] =	ssyncadd.remote.s32 $0x1  }
0xbd: {  	_ =	sfence.sel $0xFFFF  }
0xbe: {  	[dreg:$0x0] =	wrdreg $0xFFFFFFFF;
	(pc) =	sbr.abs _section_cstart, $3  }
0xbf: {  	[dreg:$0x1] =	wrdreg $0xFFFFFFFF  }
0xc0: {  	_ =	task.clear_ibuf [dreg:s6], $0x2FFFF;
	_ =	strace $0x9FFFFFFF  }
0xc1: {  	(tm) =	ssettm $0x7FFFFFFF  }
tec
execute0_lowered:
.L_overlay_start_1:
0x0: {  	(tag) =	ssettag $0x1  }
0x1: {  	s1 =	srdreg.scid;
	s0 =	stileid.u32  }
0x2: {  	s6 =	rddreg [dreg:$0x0];
	s7 =	simm.s32 $0x1;
	s1 =	sshll.u32 s1, $0x5  }
0x3: {  	s30 =	simm.s32 $0x2;
	s2 =	sshll.u32 s0, $0x6;
	s3 =	sand.u32 $0x20, s1  }
0x4: {  	s31 =	simm.s32 $0x3;
	s11 =	simm.s32 $0x0;
	s2 =	sor.u32 s2, s3  }
0x5: {  	s9 =	simm.s32 $0x0;
	s4 =	sadd.s32 $0xC00, s6;
	s5 =	ssub.s32 $0x600, s2  }
0x6: {  	s1 =	rddreg [dreg:$0x1];
	_ =	strace $0x80000047;
	s8 =	sand.u32 $0x3E0, s5  }
0x7: {  	s3 =	sadd.s32 $0x800, s6;
	[sflag:s7] =	ssyncpa.u1 $0x0;
	p0 =	sne.s32 s8, $0x0  }
0x8: {  	s6 =	sadd.s32 $0x1000, s6;
	s5 =	sshrl.u32 s5, $0xA;
	s7 =	simm.s32 @!p0 $0x0  }
0x9: {  	[sflag:s30] =	ssyncpa.u1 $0x0;
	s10 =	smov.u32 s2;
	s5 =	sadd.s32 s7, s5  }
0xa: {  	[sflag:s31] =	ssyncpa.u1 $0x0;
	s8 =	simm.s32 $0x0;
	s7 =	sadd.s32 $0x1, s5  }
.LBB2_1:
0xb: {  	p0 =	sge.u32 s9, s5  }
0xc: {  	s31 =	sadd.s32 $0xFFFFFFFF, s9;
	s12 =	sxor.u32 @!p0 $0xFFFFFFFF, s8;
	s13 =	sshrl.u32 @!p0 s10, $0x3  }
0xd: {  	s14 =	sand.u32 @!p0 $0x7, s10;
	s12 =	sand.u32 @!p0 $0x20, s12;
	s13 =	sadd.s32 @!p0 s4, s13  }
0xe: {  	[tilespmem:s12], [sflag:$0x2] =	stream.linear.gather @!p0 [hbm4b:s13+s14], $0x20, $0x38;
	[tilespmem:$0x80] =	vst v63  }
0xf: {  	p0 =	sge.u32 s31, s5  }
0x10: {  	s12 =	simm.s32 @!p0 $0x2  }
0x11: {  	_ =	swait.ge @!p0 [sflag:s12], $0x20  }
0x12: {  	[sflag:s12] =	ssyncset.done @!p0 $0x0  }
0x13: {  	[sflag:s12] =	ssyncadd.s32 @!p0 $0xFFFFFFE0;
	s12 =	sand.u32 @!p0 $0x20, s8  }
0x14: {  	(ifvalue) =	ssetifvalue @!p0 $0x7FFFFFFF;
	v0 =	vld.msk @!p0 [tilespmem:s12+$0x0 ss:$0x1], $0xffff;
	_ =	sdelay $0x4  }
0x15: {  	vm0 =	vgt.s32 @!p0 v0, $0x0  }
0x16: {  	v0 =	vnsel @!p0 vm0, $0x0, v0  }
0x17: {  	v0 =	vmin.u32 @!p0 v0, $0x5FF;
	_ =	sdelay $0x2  }
0x18: {  	s14 =	simm.s32 @!p0 $0x0  }
0x19: {  	s13 =	sor.u32 @!p0 $0x40, s12;
	(ifvalue) =	ssetifvalue @!p0 $0x7FFFFFFF;
	s15 =	sor.u32 @!p0 $0x10, s12;
	vm0 =	vmmov @!p0 $0xffff  }
0x1a: {  	[tilespmem:s13], [sflag:$0x1] =	stream.indirect_vreg.gather @!p0 [hbm4b:s3+s14], $0x1, v0, vm0, $0x4038;
	[tilespmem:$0x80] =	vst v63  }
0x1b: {  	v0 =	vld.msk @!p0 [tilespmem:s15+$0x0 ss:$0x1], $0xffff;
	_ =	sdelay $0x4  }
0x1c: {  	vm1 =	vgt.s32 @!p0 v0, $0x0  }
0x1d: {  	v0 =	vnsel @!p0 vm1, $0x0, v0  }
0x1e: {  	v0 =	vmin.u32 @!p0 v0, $0x5FF;
	_ =	sdelay $0x3  }
0x1f: {  	s12 =	sor.u32 @!p0 $0x50, s12;
	(ifvalue) =	ssetifvalue @!p0 $0x7FFFFFFF  }
0x20: {  	[tilespmem:s12], [sflag:$0x1] =	stream.indirect_vreg.gather @!p0 [hbm4b:s3+s14], $0x1, v0, vm0, $0x4038;
	[tilespmem:$0x80] =	vst v63  }
0x21: {  	s12 =	simm.s32 @!p0 $0x1  }
0x22: {  	_ =	swait.ge @!p0 [sflag:s12], $0x20  }
0x23: {  	s14 =	sshrl.u32 @!p0 s11, $0x3;
	[sflag:s12] =	ssyncset.done @!p0 $0x0  }
0x24: {  	s11 =	sand.u32 @!p0 $0x7, s11;
	[sflag:s12] =	ssyncadd.s32 @!p0 $0xFFFFFFE0;
	s12 =	sadd.s32 @!p0 s6, s14  }
0x25: {  	[hbm4b:s12+s11] =	stream.linear.scatter @!p0 [tilespmem:s13], [sflag:$0x3], $0x20, $0x38;
	[tilespmem:$0x80] =	vst v63  }
0x26: {  	s13 =	sadd.s32 $0x400, s10  }
0x27: {  	p1 =	sgt.s32 s13, $0x5FF  }
0x28: {  	s13 =	smov.u32 @p1 s2;
	p1 =	sne.s32 s9, s7  }
.Ltmp0:
0x29: {  	p0 =	slt.u32 s9, $0x2;
	(pc) =	sbr.rel @p1 .LBB2_1-.Ltmp0, $4  }
0x2a: {  	s12 =	simm.s32 @!p0 $0x3  }
0x2b: {  	_ =	swait.ge @!p0 [sflag:s12], $0x20  }
0x2c: {  	s8 =	sadd.s32 $0x20, s8;
	s11 =	smov.u32 s10;
	[sflag:s12] =	ssyncset.done @!p0 $0x0  }
0x2d: {  	s9 =	sadd.s32 $0x1, s9;
	s10 =	smov.u32 s13;
	[sflag:s12] =	ssyncadd.s32 @!p0 $0xFFFFFFE0  }
0x2e: {  	_ =	sfence.sel $0x180000  }
0x2f: {  	s2 =	simm.s32 $0x2;
	[bflag:$0x0] =	sbarrier.arrive $0xFFFF  }
0x30: {  	s30 =	simm.s32 $0x3;
	[sflag:s2] =	ssyncpa.u1 $0x1  }
0x31: {  	s31 =	simm.s32 $0x1;
	[sflag:s30] =	ssyncpa.u1 $0x1  }
0x32: {  	[sflag:s31] =	ssyncpa.u1 $0x1  }
0x33: {  	p0 =	sne.s32 s0, $0x0;
	_ =	strace $0x90000047  }
0x34: {  	s0 =	sadd.s32 @!p0 $0x100000, s1;
	[bflag:$0x2] =	sbarrier.arrive $0xFFFF  }
0x35: {  	[sflag:s0] =	ssyncadd.tile.s32 @!p0 $0x1;
	_ =	shalt  }
.Lfunc_end2:
_tile_overlayer_lowered:
.L_overlay_start_2:
0x36: {  	(tag) =	ssettag $0x2  }
0x37: {  	s0 =	rddreg [dreg:$0x0];
	s2 =	stileid.u32  }
0x38: {  	s1 =	rddreg [dreg:$0x1];
	p0 =	sne.s32 s2, $0x0  }
0x39: {  	s3 =	rddreg [dreg:$0x2];
	[bflag:$0x3] =	sbarrier.arrive $0xFFFF;
	s2 =	simm.s32 @!p0 $0x1C01  }
0x3a: {  	[timem:s3], [sflag:s2] =	dma.local @!p0 [hbm:s0], s1  }
0x3b: {  	s0 =	simm.s32 @!p0 $0x1  }
0x3c: {  	_ =	swait.ge @!p0 [sflag:s0], s1  }
0x3d: {  	s1 =	ssub.s32 @!p0 $0x0, s1;
	[sflag:s0] =	ssyncset.done @!p0 $0x0  }
0x3e: {  	[sflag:s0] =	ssyncadd.s32 @!p0 s1  }
0x3f: {  	[bflag:$0x3] =	sbarrier.arrive $0xFFFF  }
0x40: {  	_ =	shalt  }

// kernel: kernel.5.cloned.1.call-start
scs
__scs_entry_jumppad:
0x0: {  	(pc) =	sbr.rel $0x88, $3  }
0x1: {  	(tag) =	ssettag $0x0;
	lr =	simm.s32 $0x1  }
0x2: {  	[smem:$0x3F98] =	sst lr;
	_ =	strace $0xD0000000  }
0x3: {  	_ = 	snop  }
0x4: {  	_ = 	snop  }
0x5: {  	_ = 	snop  }
0x6: {  	_ = 	snop  }
0x7: {  	_ = 	snop  }
__scs_overlays_trampoline_lowered:
0x8: {  	[smem:$0x3FA7] =	sst s0  }
0x9: {  	[smem:$0x3FA8] =	sst s1  }
0xa: {  	[smem:$0x3FA9] =	sst s2  }
0xb: {  	[smem:$0x3FAA] =	sst s3  }
0xc: {  	[smem:$0x3FAB] =	sst s4  }
0xd: {  	[smem:$0x3FAC] =	sst s5  }
0xe: {  	[smem:$0x3FAD] =	sst s6  }
0xf: {  	[smem:$0x3FAE] =	sst s7  }
0x10: {  	[smem:$0x3FAF] =	sst s8  }
0x11: {  	[smem:$0x3FB0] =	sst s9;
	s0 =	simm.s32 @!p0 $0x0  }
0x12: {  	s1 =	sld [smem:$0x3F96];
	s0 =	simm.s32 @p0 $0x1  }
0x13: {  	[smem:$0x3FB1] =	sst s0;
	s0 =	simm.s32 @!p1 $0x0  }
0x14: {  	s2 =	sld [smem:$0x3F95];
	s0 =	simm.s32 @p1 $0x1  }
0x15: {  	[smem:$0x3FB2] =	sst s0;
	s0 =	simm.s32 @!p2 $0x0  }
0x16: {  	s3 =	sld [smem:$0x3FDB];
	s0 =	simm.s32 @p2 $0x1  }
0x17: {  	s4 =	simm.s32 $0x1BF5;
	[smem:$0x3FB4] =	sst s0  }
0x18: {  	s0 =	sld [smem:$0x3F97];
	_ =	swait.ge [sflag:s4], $0x0  }
0x19: {  	s7 =	sld [smem:$0x3F98]  }
0x1a: {  	s8 =	sadd.s32 $0xFFFFE003, lr  }
0x1b: {  	s9 =	sadd.s32 $0xFFFFFEF7, lr;
	s5 =	simm.s32 $0xFFFFFFFF;
	p2 =	slt.u32 s8, $0xFFFFF086  }
0x1c: {  	p1 =	slt.u32 s9, $0xF7A;
	s5 =	simm.s32 @!p2 $0x0  }
0x1d: {  	s5 =	simm.s32 @p1 $0x1;
	p0 =	seq.s32 s7, s2  }
0x1e: {  	s7 =	smul.u32 @!p0 $0xF7A, s2;
	p2 =	seq.s32 @!p0 s5, $0x0  }
0x1f: {  	s9 =	smul.u32 $0xF7A, s1;
	s8 =	simm.s32 @!p0 $0x1BF5;
	p2 =	por !p2, p0  }
0x20: {  	[sflag:s8] =	ssyncset.s32 @!p0 $0xFFFFF086;
	s6 =	sadd.s32 @!p0 s3, s7;
	s7 =	simm.s32 @!p0 $0x108  }
0x21: {  	s3 =	sadd.s32 s3, s9;
	s6 =	sadd.s32 @!p0 $0x88, s6;
	s7 =	simm.s32 @p2 $0x1082  }
0x22: {  	[simem:s7], [sflag:s8] =	dma.local @!p0 [hbm:s6], $0xF7A  }
0x23: {  	s9 =	sor.u32 $0xD0000000, s2;
	s6 =	simm.s32 $0x108;
	_ =	swait.ge @!p0 [sflag:s8], $0x0  }
0x24: {  	s3 =	sadd.s32 $0x88, s3;
	s6 =	simm.s32 @!p1 $0x1082;
	[sflag:s4] =	ssyncset.s32 $0xFFFFF086  }
0x25: {  	[simem:s6], [sflag:s4] =	dma.local [hbm:s3], $0xF7A  }
0x26: {  	[smem:$0x3F98] =	sst s1;
	(tag) =	ssettag s2;
	_ =	strace s9  }
0x27: {  	s1 =	sld [smem:$0x3FA8]  }
0x28: {  	s2 =	sld [smem:$0x3FA9]  }
0x29: {  	s4 =	sld [smem:$0x3FAB]  }
0x2a: {  	p0 =	seq.s32 s5, $0x0;
	s5 =	sld [smem:$0x3FAC]  }
0x2b: {  	s6 =	sld [smem:$0x3FAD]  }
0x2c: {  	s7 =	sld [smem:$0x3FAE]  }
0x2d: {  	s3 =	simm.s32 $0x108;
	s8 =	sld [smem:$0x3FAF]  }
0x2e: {  	s3 =	simm.s32 @!p0 $0x1082;
	s9 =	sld [smem:$0x3FB0]  }
0x2f: {  	lr =	sadd.s32 s0, s3;
	s0 =	sld [smem:$0x3FA7]  }
0x30: {  	s3 =	sld [smem:$0x3FAA]  }
0x31: {  	[smem:$0x3FB3] =	sst s10  }
0x32: {  	s10 =	sld [smem:$0x3FB1];
	_ =	sdelay $0x3  }
0x33: {  	p0 =	seq.s32 s10, $0x1;
	s10 =	sld [smem:$0x3FB3];
	_ =	sdelay $0x3  }
0x34: {  	[smem:$0x3FB3] =	sst s10  }
0x35: {  	s10 =	sld [smem:$0x3FB2];
	_ =	sdelay $0x3  }
0x36: {  	p1 =	seq.s32 s10, $0x1;
	s10 =	sld [smem:$0x3FB3];
	_ =	sdelay $0x3  }
0x37: {  	[smem:$0x3FB3] =	sst s10  }
0x38: {  	s10 =	sld [smem:$0x3FB4]  }
0x39: {  	_ = 	snop;
	(pc) =	sbr.ind lr, $3  }
0x3a: {  	_ = 	snop  }
0x3b: {  	_ = 	snop  }
0x3c: {  	p2 =	seq.s32 s10, $0x1;
	s10 =	sld [smem:$0x3FB3]  }
0x3d: {  	_ =	shalt  }
0x3e: {  	_ =	shalt  }
0x3f: {  	_ =	shalt  }
0x40: {  	_ =	shalt  }
0x41: {  	_ =	shalt  }
0x42: {  	_ =	shalt  }
0x43: {  	_ =	shalt  }
0x44: {  	_ =	shalt  }
0x45: {  	_ =	shalt  }
0x46: {  	_ =	shalt  }
0x47: {  	_ =	shalt  }
0x48: {  	_ =	shalt  }
0x49: {  	_ =	shalt  }
0x4a: {  	_ =	shalt  }
0x4b: {  	_ =	shalt  }
0x4c: {  	_ =	shalt  }
0x4d: {  	_ =	shalt  }
0x4e: {  	_ =	shalt  }
0x4f: {  	_ =	shalt  }
0x50: {  	_ =	shalt  }
0x51: {  	_ =	shalt  }
0x52: {  	_ =	shalt  }
0x53: {  	_ =	shalt  }
0x54: {  	_ =	shalt  }
0x55: {  	_ =	shalt  }
0x56: {  	_ =	shalt  }
0x57: {  	_ =	shalt  }
0x58: {  	_ =	shalt  }
0x59: {  	_ =	shalt  }
0x5a: {  	_ =	shalt  }
0x5b: {  	_ =	shalt  }
0x5c: {  	_ =	shalt  }
0x5d: {  	_ =	shalt  }
0x5e: {  	_ =	shalt  }
0x5f: {  	_ =	shalt  }
0x60: {  	_ =	shalt  }
0x61: {  	_ =	shalt  }
0x62: {  	_ =	shalt  }
0x63: {  	_ =	shalt  }
0x64: {  	_ =	shalt  }
0x65: {  	_ =	shalt  }
0x66: {  	_ =	shalt  }
0x67: {  	_ =	shalt  }
0x68: {  	_ =	shalt  }
0x69: {  	_ =	shalt  }
0x6a: {  	_ =	shalt  }
0x6b: {  	_ =	shalt  }
0x6c: {  	_ =	shalt  }
0x6d: {  	_ =	shalt  }
0x6e: {  	_ =	shalt  }
0x6f: {  	_ =	shalt  }
0x70: {  	_ =	shalt  }
0x71: {  	_ =	shalt  }
0x72: {  	_ =	shalt  }
0x73: {  	_ =	shalt  }
0x74: {  	_ =	shalt  }
0x75: {  	_ =	shalt  }
0x76: {  	_ =	shalt  }
0x77: {  	_ =	shalt  }
0x78: {  	_ =	shalt  }
0x79: {  	_ =	shalt  }
0x7a: {  	_ =	shalt  }
0x7b: {  	_ =	shalt  }
0x7c: {  	_ =	shalt  }
0x7d: {  	_ =	shalt  }
0x7e: {  	_ =	shalt  }
0x7f: {  	_ =	shalt  }
0x80: {  	_ =	shalt  }
0x81: {  	_ =	shalt  }
0x82: {  	_ =	shalt  }
0x83: {  	_ =	shalt  }
0x84: {  	_ =	shalt  }
0x85: {  	_ =	shalt  }
0x86: {  	_ =	shalt  }
0x87: {  	_ =	shalt  }
.Lfunc_end0:
.L_simem_size_0:
called_computation.1_lowered:
.L_overlay_start_0:
0x88: {  	s2 =	sld [smem:$0x3FD9]  }
0x89: {  	s3 =	sld [smem:$0x3FFE];
	_ =	sdelay $0x1  }
0x8a: {  	s1 =	srdreg.scid  }
0x8b: {  	s0 =	sand.u32 $0x1, s1  }
0x8c: {  	s17 =	sshll.u32 s0, $0xA;
	s2 =	sadd.s32 s3, s2  }
0x8d: {  	s2 =	sadd.s32 s2, s17  }
0x8e: {  	[smem:$0x3FBF] =	sst s2  }
0x8f: {  	_ = 	snop  }
0x90: {  	s18 =	sld [smem:$0x3FC6];
	(tm) =	ssettm $0x1  }
0x91: {  	s19 =	sld [smem:$0x3FFB];
	_ =	sdelay $0x3  }
0x92: {  	_ =	strace s19  }
0x93: {  	s2 =	sld [smem:$0x3FFC];
	_ =	sdelay $0x3  }
0x94: {  	_ =	strace s2  }
0x95: {  	s2 =	sld [smem:$0x3FFD];
	_ =	sdelay $0x3  }
0x96: {  	_ =	strace s2  }
0x97: {  	_ =	strace $0x8FFFFFFF  }
0x98: {  	s20 =	sld [smem:$0x3FDB];
	_ =	sdelay $0x1  }
0x99: {  	s4 =	simm.s32 $_scs_section_size  }
0x9a: {  	s5 =	simm.s32 $_size__tile_overlayer_lowered;
	s6 =	simm.s32 $_tile_overlayer_lowered  }
0x9b: {  	s7 =	simm.s32 $0x1BFF;
	s21 =	sshll.u32 s6, $0x1;
	s4 =	sadd.s32 s4, s20  }
0x9c: {  	s22 =	simm.s32 $0x0;
	s5 =	sshll.u32 s5, $0x1;
	s6 =	sadd.s32 s21, s4  }
0x9d: {  	[timem:s22], [sflag:s7] =	dma.local [hbm:s6], s5  }
0x9e: {  	_ =	swait.ge [sflag:s7], s5  }
0x9f: {  	s5 =	ssub.s32 $0x0, s5;
	[sflag:s7] =	ssyncset.done $0x0  }
0xa0: {  	[sflag:s7] =	ssyncadd.s32 s5;
	_ =	sdelay $0x1  }
0xa1: {  	s23 =	simm.s32 $0x1B8B  }
0xa2: {  	_ =	swait.ge [sflag:s23], $0x1  }
0xa3: {  	[sflag:s23] =	ssyncset.done $0x0  }
0xa4: {  	[sflag:s23] =	ssyncadd.s32 $0xFFFFFFFF  }
0xa5: {  	s5 =	sld [smem:$0x0]  }
0xa6: {  	s6 =	sand.u32 $0xFFFFFFFE, s1  }
0xa7: {  	p0 =	sne.s32 s1, s6  }
0xa8: {  	s6 =	sshll.u32 @p0 s6, $0xE  }
0xa9: {  	s6 =	sadd.s32 @p0 $0x11B8D, s6;
	s7 =	sshll.u32 @p0 s5, $0x11  }
0xaa: {  	s6 =	sor.u32 @p0 s7, s6  }
0xab: {  	[sflag:s6] =	ssyncadd.remote.s32 @p0 $0x1;
	_ =	sdelay $0x1  }
0xac: {  	s6 =	simm.s32 @p0 $0x1B8D  }
0xad: {  	_ =	swait.eq @p0 [sflag:s6], $0x1  }
0xae: {  	[sflag:s6] =	ssyncadd.s32 @p0 $0xFFFFFFFF  }
0xaf: {  	s7 =	sshll.u32 @!p0 s1, $0xE  }
0xb0: {  	s7 =	sor.u32 @!p0 $0x4000, s7;
	s6 =	simm.s32 @!p0 $0x1B8D  }
0xb1: {  	s5 =	sshll.u32 @!p0 s5, $0x11;
	s7 =	sadd.s32 @!p0 $0x11B8D, s7;
	_ =	swait.eq @!p0 [sflag:s6], $0x1  }
0xb2: {  	s5 =	sor.u32 @!p0 s5, s7;
	[sflag:s6] =	ssyncadd.s32 @!p0 $0xFFFFFFFF  }
0xb3: {  	s25 =	simm.s32 $0x1B8E;
	s24 =	sld [smem:$0x3FFE];
	[sflag:s5] =	ssyncadd.remote.s32 @!p0 $0x1  }
0xb4: {  	s26 =	simm.s32 $execute0_lowered;
	[smem:$0x3FD2] =	sst s25  }
0xb5: {  	s6 =	sshll.u32 s26, $0x1;
	_ =	strace $0x80000049;
	[dreg:$0x1] =	wrdreg $0xFFFFFFFF  }
0xb6: {  	s28 =	simm.s32 $_size_execute0_lowered;
	s4 =	sadd.s32 s4, s6;
	[dreg:$0x0] =	wrdreg $0x0  }
0xb7: {  	s6 =	sshll.u32 s28, $0x1;
	[dreg:$0x2] =	wrdreg s4  }
0xb8: {  	[dreg:$0x3] =	wrdreg s6  }
0xb9: {  	[dreg:$0x4] =	wrdreg $0xC0  }
0xba: {  	_ =	task [dreg:s22], $0x5FFFF  }
0xbb: {  	[dreg:$0x1] =	wrdreg $0xFFFFFFFF  }
0xbc: {  	[dreg:$0x0] =	wrdreg $0x60  }
0xbd: {  	[dreg:$0x2] =	wrdreg s18  }
0xbe: {  	[dreg:$0x3] =	wrdreg s24  }
0xbf: {  	[dreg:$0x4] =	wrdreg $0xA  }
0xc0: {  	_ =	task.clear_ibuf [dreg:s22], $0x5FFFF;
	_ =	strace $0x90000049  }
0xc1: {  	s29 =	simm.s32 $0xA;
	_ =	strace $0x8000004B  }
0xc2: {  	_ =	swait.ge [sflag:s29], $0x1  }
0xc3: {  	[sflag:s29] =	ssyncadd.s32 $0xFFFFFFFF  }
0xc4: {  	_ =	strace $0x9000004B  }
0xc5: {  	_ =	sfence  }
0xc6: {  	s30 =	sld [smem:$0x0];
	_ =	sdelay $0x2  }
0xc7: {  	s31 =	sshll.u32 s1, $0xD;
	s1 =	sshrl.u32 s1, $0x2  }
0xc8: {  	s4 =	sand.u32 $0x4000, s31;
	s1 =	sadd.s32 s1, s30  }
0xc9: {  	s0 =	sor.u32 s4, s0;
	s1 =	sshll.u32 s1, $0x11  }
0xca: {  	s0 =	sor.u32 s1, s0  }
0xcb: {  	s0 =	sadd.s32 $0x8F2B, s0  }
0xcc: {  	[sflag:s0] =	ssyncadd.remote.s32 $0x1  }
0xcd: {  	_ =	sfence.sel $0xFFFF  }
0xce: {  	[dreg:$0x0] =	wrdreg $0xFFFFFFFF;
	(pc) =	sbr.abs _section_cstart, $3  }
0xcf: {  	[dreg:$0x1] =	wrdreg $0xFFFFFFFF  }
0xd0: {  	_ =	task.clear_ibuf [dreg:s22], $0x2FFFF;
	_ =	strace $0x9FFFFFFF  }
0xd1: {  	(tm) =	ssettm $0x7FFFFFFF  }
tec
execute0_lowered:
.L_overlay_start_1:
0x0: {  	(tag) =	ssettag $0x1  }
0x1: {  	s1 =	srdreg.scid;
	s0 =	stileid.u32  }
0x2: {  	s2 =	rddreg [dreg:$0x0];
	s19 =	sand.u32 $0x1, s1;
	s3 =	sshll.u32 s0, $0x1  }
0x3: {  	s4 =	rddreg [dreg:$0x1];
	s5 =	sor.u32 s19, s3  }
0x4: {  	s1 =	rddreg [dreg:$0x2];
	s6 =	sshll.u32 s5, $0x4;
	s7 =	smul.u32 $0x4F00, s5  }
0x5: {  	s8 =	sadd.s32 $0x1200, s4;
	s3 =	simm.s32 $0x0;
	s6 =	sadd.s32 s6, s4  }
0x6: {  	[smem:$0x7FF] =	sst s3;
	s6 =	sadd.s32 $0xE00, s6;
	s4 =	sadd.s32 s8, s7  }
0x7: {  	_ =	strace $0x8000004A;
	[dreg:$0x3] =	wrdreg s6;
	s31 =	sadd.s32 $0x10, s4  }
0x8: {  	s7 =	sadd.s32 $0x20, s4;
	[dreg:$0x4] =	wrdreg s31  }
0x9: {  	s9 =	sadd.s32 $0x30, s4;
	[dreg:$0x5] =	wrdreg s7  }
0xa: {  	s10 =	sadd.s32 $0x40, s4;
	[dreg:$0x6] =	wrdreg s9  }
0xb: {  	s5 =	smul.u32 $0x27800, s5;
	s11 =	sadd.s32 $0x50, s4;
	[dreg:$0x7] =	wrdreg s10  }
0xc: {  	s12 =	sadd.s32 $0x60, s4;
	[dreg:$0x8] =	wrdreg s11  }
0xd: {  	s5 =	sshrl.u32 s5, $0x3;
	s13 =	sadd.s32 $0x70, s4;
	[dreg:$0x9] =	wrdreg s12  }
0xe: {  	s5 =	sadd.s32 s8, s5;
	[dreg:$0xa] =	wrdreg s13  }
0xf: {  	s14 =	sadd.s32 $0x2780, s5;
	s22 =	rddreg [dreg:$0x3]  }
0x10: {  	s15 =	sadd.s32 $0x2790, s5;
	[dreg:$0xb] =	wrdreg s14  }
0x11: {  	s16 =	sadd.s32 $0x27A0, s5;
	[dreg:$0xc] =	wrdreg s15  }
0x12: {  	s17 =	sadd.s32 $0x27B0, s5;
	[dreg:$0xd] =	wrdreg s16  }
0x13: {  	s18 =	sadd.s32 $0x27C0, s5;
	[dreg:$0xe] =	wrdreg s17  }
0x14: {  	s20 =	sadd.s32 $0x27D0, s5;
	[dreg:$0xf] =	wrdreg s18  }
0x15: {  	s21 =	sadd.s32 $0x27E0, s5;
	[dreg:$0x10] =	wrdreg s20  }
0x16: {  	s5 =	sadd.s32 $0x27F0, s5;
	[dreg:$0x11] =	wrdreg s21  }
0x17: {  	[dreg:$0x12] =	wrdreg s5;
	s5 =	simm.s32 $0x9  }
0x18: {  	[tilespmem:s3], [sflag:$0x9] =	stream.linear.gather [hbm4b:s22+s3], $0x80, $0x38;
	[tilespmem:$0x9E80] =	vst v63  }
0x19: {  	_ =	swait.ge [sflag:s5], $0x80  }
0x1a: {  	[sflag:s5] =	ssyncset.done $0x0  }
0x1b: {  	[sflag:s5] =	ssyncadd.s32 $0xFFFFFF80  }
0x1c: {  	v0 =	vld [tilespmem:$0x0];
	_ =	sdelay $0x4  }
0x1d: {  	(v2sf) =	vpush v0, $0x1  }
0x1e: {  	(v2sf) =	vpush v0, $0x0;
	_ =	sdelay $0x1  }
0x1f: {  	(v2sf) =	vpush v0, $0x3  }
0x20: {  	(v2sf) =	vpush v0, $0x4  }
0x21: {  	(v2sf) =	vpush v0, $0x2;
	_ =	sdelay $0x1  }
0x22: {  	(v2sf) =	vpush v0, $0x6;
	_ =	sdelay $0x1  }
0x23: {  	(v2sf) =	vpush v0, $0x5;
	_ =	sdelay $0x4  }
0x24: {  	s6 =	simm.s32 $0x400;
	s8 =	simm.s32 $0x2800  }
0x25: {  	s7 =	simm.s32 $0x80;
	s9 =	simm.s32 $0x1;
	s10 =	spop (v2sf)  }
0x26: {  	s11 =	spop (v2sf);
	s13 =	sshrl.u32 s10, $0x3;
	s10 =	sshll.u32 s10, $0x7  }
0x27: {  	s12 =	sshrl.u32 s11, $0x3;
	s11 =	sshll.u32 s11, $0x7;
	s13 =	smul.u32 $0x13C00, s13  }
0x28: {  	s10 =	sand.u32 $0x380, s10;
	s14 =	spop (v2sf);
	s12 =	smul.u32 $0x13C00, s12  }
0x29: {  	(v2sf) =	vpush v0, $0xA;
	s11 =	sand.u32 $0x380, s11;
	s15 =	spop (v2sf);
	s28 =	sshrl.u32 s14, $0x3  }
0x2a: {  	s10 =	sor.u32 s10, s13;
	s23 =	spop (v2sf);
	s11 =	sor.u32 s11, s12  }
0x2b: {  	(v2sf) =	vpush v0, $0x7;
	s10 =	sshrl.u32 s10, $0x3;
	s24 =	sshrl.u32 s23, $0x3;
	s11 =	sshrl.u32 s11, $0x3  }
0x2c: {  	s12 =	sshll.u32 s23, $0x7;
	s17 =	spop (v2sf);
	s11 =	sadd.s32 s2, s11  }
0x2d: {  	[tilespmem:s7], [sflag:$0x1] =	stream.strided.gather [hbm4b:s11+s7], $0x2780, s6, s7, $0x38;
	[tilespmem:$0x9E80] =	vst v63  }
0x2e: {  	s10 =	sadd.s32 s2, s10;
	s21 =	spop (v2sf);
	s11 =	smul.u32 $0x13C00, s24  }
0x2f: {  	[tilespmem:s8], [sflag:$0x2] =	stream.strided.gather [hbm4b:s10+s7], $0x2780, s6, s7, $0x38;
	[tilespmem:$0x9E80] =	vst v63  }
0x30: {  	s29 =	sshll.u32 s14, $0x7;
	s25 =	sand.u32 $0x380, s12;
	_ =	swait.ge [sflag:s9], $0x2780  }
0x31: {  	s13 =	smul.u32 $0x13C00, s28;
	s11 =	sor.u32 s25, s11;
	(v2sf) =	vpush v0, $0x9;
	[sflag:s9] =	ssyncset.done $0x0  }
0x32: {  	s14 =	sand.u32 $0x380, s29;
	s26 =	sshrl.u32 s11, $0x3;
	[sflag:s9] =	ssyncadd.s32 $0xFFFFD880  }
0x33: {  	[hbm4b:s4+s7] =	stream.strided.scatter [tilespmem:s7], [sflag:$0x5], $0x2780, s6, s7, $0x38;
	[tilespmem:$0x9E80] =	vst v63  }
0x34: {  	s10 =	simm.s32 $0x4F80;
	s11 =	simm.s32 $0x2;
	s12 =	sadd.s32 s2, s26;
	(v2sf) =	vpush v0, $0xB  }
0x35: {  	[tilespmem:s10], [sflag:$0x3] =	stream.strided.gather [hbm4b:s12+s7], $0x2780, s6, s7, $0x38;
	[tilespmem:$0x9E80] =	vst v63  }
0x36: {  	s13 =	sor.u32 s14, s13;
	_ =	swait.ge [sflag:s11], $0x2780  }
0x37: {  	s14 =	sshrl.u32 s13, $0x3;
	s13 =	simm.s32 $0x3;
	[sflag:s11] =	ssyncset.done $0x0  }
0x38: {  	s16 =	rddreg [dreg:$0x4];
	s20 =	spop (v2sf);
	[sflag:s11] =	ssyncadd.s32 $0xFFFFD880  }
0x39: {  	[hbm4b:s16+s7] =	stream.strided.scatter [tilespmem:s8], [sflag:$0x6], $0x2780, s6, s7, $0x38;
	[tilespmem:$0x9E80] =	vst v63  }
0x3a: {  	s14 =	sadd.s32 s2, s14;
	s12 =	simm.s32 $0x7700;
	s18 =	spop (v2sf)  }
0x3b: {  	(v2sf) =	vpush v0, $0x8;
	[tilespmem:s12], [sflag:$0x4] =	stream.strided.gather [hbm4b:s14+s7], $0x2780, s6, s7, $0x38;
	[tilespmem:$0x9E80] =	vst v63  }
0x3c: {  	_ =	swait.ge [sflag:s13], $0x2780  }
0x3d: {  	s30 =	sshrl.u32 s15, $0x3;
	s15 =	sshll.u32 s15, $0x7;
	[sflag:s13] =	ssyncset.done $0x0  }
0x3e: {  	s16 =	smul.u32 $0x13C00, s30;
	s22 =	rddreg [dreg:$0x5];
	[sflag:s13] =	ssyncadd.s32 $0xFFFFD880  }
0x3f: {  	[hbm4b:s22+s7] =	stream.strided.scatter [tilespmem:s10], [sflag:$0x7], $0x2780, s6, s7, $0x38;
	[tilespmem:$0x9E80] =	vst v63  }
0x40: {  	s15 =	sand.u32 $0x380, s15;
	s14 =	simm.s32 $0x5;
	(v2sf) =	vpush v0, $0xC;
	s26 =	spop (v2sf)  }
0x41: {  	s16 =	sor.u32 s15, s16;
	_ =	swait.ge [sflag:s14], $0x2780  }
0x42: {  	s15 =	simm.s32 $0x4;
	s16 =	sshrl.u32 s16, $0x3;
	[sflag:s14] =	ssyncset.done $0x0;
	(v2sf) =	vpush v0, $0xD  }
0x43: {  	s16 =	sadd.s32 s2, s16;
	s23 =	spop (v2sf);
	[sflag:s14] =	ssyncadd.s32 $0xFFFFD880  }
0x44: {  	[tilespmem:s7], [sflag:$0x1] =	stream.strided.gather [hbm4b:s16+s7], $0x2780, s6, s7, $0x38;
	[tilespmem:$0x9E80] =	vst v63  }
0x45: {  	s24 =	sshrl.u32 s21, $0x3;
	s21 =	sshll.u32 s21, $0x7;
	_ =	swait.ge [sflag:s15], $0x2780  }
0x46: {  	s24 =	smul.u32 $0x13C00, s24;
	s21 =	sand.u32 $0x380, s21;
	[sflag:s15] =	ssyncset.done $0x0  }
0x47: {  	s16 =	simm.s32 $0x6;
	s31 =	rddreg [dreg:$0x6];
	(v2sf) =	vpush v0, $0xE;
	[sflag:s15] =	ssyncadd.s32 $0xFFFFD880  }
0x48: {  	[hbm4b:s31+s7] =	stream.strided.scatter [tilespmem:s12], [sflag:$0x8], $0x2780, s6, s7, $0x38;
	[tilespmem:$0x9E80] =	vst v63  }
0x49: {  	s21 =	sor.u32 s21, s24;
	_ =	swait.ge [sflag:s16], $0x2780  }
0x4a: {  	s21 =	sshrl.u32 s21, $0x3;
	[sflag:s16] =	ssyncset.done $0x0  }
0x4b: {  	s21 =	sadd.s32 s2, s21;
	s28 =	spop (v2sf);
	[sflag:s16] =	ssyncadd.s32 $0xFFFFD880  }
0x4c: {  	[tilespmem:s8], [sflag:$0x2] =	stream.strided.gather [hbm4b:s21+s7], $0x2780, s6, s7, $0x38;
	[tilespmem:$0x9E80] =	vst v63  }
0x4d: {  	s25 =	sshrl.u32 s17, $0x3;
	_ =	swait.ge [sflag:s9], $0x2780  }
0x4e: {  	s17 =	sshll.u32 s17, $0x7;
	s29 =	smul.u32 $0x13C00, s25;
	[sflag:s9] =	ssyncset.done $0x0  }
0x4f: {  	s24 =	rddreg [dreg:$0x7];
	s25 =	spop (v2sf);
	[sflag:s9] =	ssyncadd.s32 $0xFFFFD880  }
0x50: {  	(v2sf) =	vpush v0, $0xF;
	[hbm4b:s24+s7] =	stream.strided.scatter [tilespmem:s7], [sflag:$0x5], $0x2780, s6, s7, $0x38;
	[tilespmem:$0x9E80] =	vst v63  }
0x51: {  	s30 =	sand.u32 $0x380, s17;
	s17 =	simm.s32 $0x7;
	s24 =	spop (v2sf)  }
0x52: {  	s21 =	sor.u32 s30, s29;
	_ =	swait.ge [sflag:s17], $0x2780  }
0x53: {  	s21 =	sshrl.u32 s21, $0x3;
	[sflag:s17] =	ssyncset.done $0x0  }
0x54: {  	s21 =	sadd.s32 s2, s21;
	[sflag:s17] =	ssyncadd.s32 $0xFFFFD880  }
0x55: {  	[tilespmem:s10], [sflag:$0x3] =	stream.strided.gather [hbm4b:s21+s7], $0x2780, s6, s7, $0x38;
	[tilespmem:$0x9E80] =	vst v63  }
0x56: {  	s21 =	spop (v2sf)  }
0x57: {  	s29 =	sshrl.u32 s18, $0x3;
	s18 =	sshll.u32 s18, $0x7;
	_ =	swait.ge [sflag:s11], $0x2780  }
0x58: {  	s22 =	smul.u32 $0x13C00, s29;
	s29 =	sand.u32 $0x380, s18;
	[sflag:s11] =	ssyncset.done $0x0  }
0x59: {  	s18 =	simm.s32 $0x8;
	s31 =	rddreg [dreg:$0x8];
	[sflag:s11] =	ssyncadd.s32 $0xFFFFD880  }
0x5a: {  	[hbm4b:s31+s7] =	stream.strided.scatter [tilespmem:s8], [sflag:$0x6], $0x2780, s6, s7, $0x38;
	[tilespmem:$0x9E80] =	vst v63  }
0x5b: {  	s22 =	sor.u32 s29, s22;
	_ =	swait.ge [sflag:s18], $0x2780  }
0x5c: {  	s22 =	sshrl.u32 s22, $0x3;
	[sflag:s18] =	ssyncset.done $0x0  }
0x5d: {  	s22 =	sadd.s32 s2, s22;
	[sflag:s18] =	ssyncadd.s32 $0xFFFFD880  }
0x5e: {  	[tilespmem:s12], [sflag:$0x4] =	stream.strided.gather [hbm4b:s22+s7], $0x2780, s6, s7, $0x38;
	[tilespmem:$0x9E80] =	vst v63  }
0x5f: {  	s22 =	spop (v2sf)  }
0x60: {  	s31 =	sshrl.u32 s28, $0x3;
	_ =	swait.ge [sflag:s13], $0x2780  }
0x61: {  	s28 =	sshll.u32 s28, $0x7;
	s29 =	smul.u32 $0x13C00, s31;
	[sflag:s13] =	ssyncset.done $0x0  }
0x62: {  	s28 =	sand.u32 $0x380, s28;
	s30 =	rddreg [dreg:$0x9];
	[sflag:s13] =	ssyncadd.s32 $0xFFFFD880  }
0x63: {  	[hbm4b:s30+s7] =	stream.strided.scatter [tilespmem:s10], [sflag:$0x7], $0x2780, s6, s7, $0x38;
	[tilespmem:$0x9E80] =	vst v63  }
0x64: {  	s28 =	sor.u32 s28, s29;
	_ =	swait.ge [sflag:s14], $0x2780  }
0x65: {  	s28 =	sshrl.u32 s28, $0x3;
	[sflag:s14] =	ssyncset.done $0x0  }
0x66: {  	s28 =	sadd.s32 s2, s28;
	[sflag:s14] =	ssyncadd.s32 $0xFFFFD880  }
0x67: {  	[tilespmem:s7], [sflag:$0x1] =	stream.strided.gather [hbm4b:s28+s7], $0x2780, s6, s7, $0x38;
	[tilespmem:$0x9E80] =	vst v63  }
0x68: {  	s31 =	sshrl.u32 s26, $0x3;
	s26 =	sshll.u32 s26, $0x7;
	_ =	swait.ge [sflag:s15], $0x2780  }
0x69: {  	s26 =	sand.u32 $0x380, s26;
	[sflag:s15] =	ssyncset.done $0x0  }
0x6a: {  	s28 =	smul.u32 $0x13C00, s31;
	s30 =	rddreg [dreg:$0xa];
	[sflag:s15] =	ssyncadd.s32 $0xFFFFD880  }
0x6b: {  	[hbm4b:s30+s7] =	stream.strided.scatter [tilespmem:s12], [sflag:$0x8], $0x2780, s6, s7, $0x38;
	[tilespmem:$0x9E80] =	vst v63  }
0x6c: {  	s26 =	sor.u32 s26, s28;
	_ =	swait.ge [sflag:s16], $0x2780  }
0x6d: {  	s26 =	sshrl.u32 s26, $0x3;
	[sflag:s16] =	ssyncset.done $0x0  }
0x6e: {  	s26 =	sadd.s32 s2, s26;
	[sflag:s16] =	ssyncadd.s32 $0xFFFFD880  }
0x6f: {  	[tilespmem:s8], [sflag:$0x2] =	stream.strided.gather [hbm4b:s26+s7], $0x2780, s6, s7, $0x38;
	[tilespmem:$0x9E80] =	vst v63  }
0x70: {  	s29 =	sshrl.u32 s20, $0x3;
	s20 =	sshll.u32 s20, $0x7;
	_ =	swait.ge [sflag:s9], $0x2780  }
0x71: {  	s20 =	sand.u32 $0x380, s20;
	[sflag:s9] =	ssyncset.done $0x0  }
0x72: {  	s26 =	smul.u32 $0x13C00, s29;
	s28 =	rddreg [dreg:$0xb];
	[sflag:s9] =	ssyncadd.s32 $0xFFFFD880  }
0x73: {  	[hbm4b:s28+s7] =	stream.strided.scatter [tilespmem:s7], [sflag:$0x5], $0x2780, s6, s7, $0x38;
	[tilespmem:$0x9E80] =	vst v63  }
0x74: {  	s20 =	sor.u32 s20, s26;
	_ =	swait.ge [sflag:s17], $0x2780  }
0x75: {  	s20 =	sshrl.u32 s20, $0x3;
	[sflag:s17] =	ssyncset.done $0x0  }
0x76: {  	s20 =	sadd.s32 s2, s20;
	[sflag:s17] =	ssyncadd.s32 $0xFFFFD880  }
0x77: {  	[tilespmem:s10], [sflag:$0x3] =	stream.strided.gather [hbm4b:s20+s7], $0x2780, s6, s7, $0x38;
	[tilespmem:$0x9E80] =	vst v63  }
0x78: {  	s31 =	sshrl.u32 s23, $0x3;
	s23 =	sshll.u32 s23, $0x7;
	_ =	swait.ge [sflag:s11], $0x2780  }
0x79: {  	s23 =	sand.u32 $0x380, s23;
	[sflag:s11] =	ssyncset.done $0x0  }
0x7a: {  	s20 =	smul.u32 $0x13C00, s31;
	s30 =	rddreg [dreg:$0xc];
	[sflag:s11] =	ssyncadd.s32 $0xFFFFD880  }
0x7b: {  	[hbm4b:s30+s7] =	stream.strided.scatter [tilespmem:s8], [sflag:$0x6], $0x2780, s6, s7, $0x38;
	[tilespmem:$0x9E80] =	vst v63  }
0x7c: {  	s20 =	sor.u32 s23, s20;
	_ =	swait.ge [sflag:s18], $0x2780  }
0x7d: {  	s20 =	sshrl.u32 s20, $0x3;
	[sflag:s18] =	ssyncset.done $0x0  }
0x7e: {  	s20 =	sadd.s32 s2, s20;
	[sflag:s18] =	ssyncadd.s32 $0xFFFFD880  }
0x7f: {  	[tilespmem:s12], [sflag:$0x4] =	stream.strided.gather [hbm4b:s20+s7], $0x2780, s6, s7, $0x38;
	[tilespmem:$0x9E80] =	vst v63  }
0x80: {  	_ =	swait.ge [sflag:s13], $0x2780  }
0x81: {  	s26 =	sshrl.u32 s25, $0x3;
	s28 =	sshll.u32 s25, $0x7;
	[sflag:s13] =	ssyncset.done $0x0  }
0x82: {  	s20 =	smul.u32 $0x13C00, s26;
	s23 =	rddreg [dreg:$0xd];
	[sflag:s13] =	ssyncadd.s32 $0xFFFFD880  }
0x83: {  	[hbm4b:s23+s7] =	stream.strided.scatter [tilespmem:s10], [sflag:$0x7], $0x2780, s6, s7, $0x38;
	[tilespmem:$0x9E80] =	vst v63  }
0x84: {  	s23 =	sand.u32 $0x380, s28  }
0x85: {  	s20 =	sor.u32 s23, s20;
	_ =	swait.ge [sflag:s14], $0x2780  }
0x86: {  	s20 =	sshrl.u32 s20, $0x3;
	[sflag:s14] =	ssyncset.done $0x0  }
0x87: {  	[sflag:s14] =	ssyncadd.s32 $0xFFFFD880;
	s20 =	sadd.s32 s2, s20  }
0x88: {  	[tilespmem:s7], [sflag:$0x1] =	stream.strided.gather [hbm4b:s20+s7], $0x2780, s6, s7, $0x38;
	[tilespmem:$0x9E80] =	vst v63  }
0x89: {  	s31 =	sshll.u32 s24, $0x7;
	_ =	swait.ge [sflag:s15], $0x2780  }
0x8a: {  	s30 =	sshrl.u32 s24, $0x3;
	s23 =	sand.u32 $0x380, s31;
	[sflag:s15] =	ssyncset.done $0x0  }
0x8b: {  	s20 =	smul.u32 $0x13C00, s30;
	s29 =	rddreg [dreg:$0xe];
	[sflag:s15] =	ssyncadd.s32 $0xFFFFD880  }
0x8c: {  	[hbm4b:s29+s7] =	stream.strided.scatter [tilespmem:s12], [sflag:$0x8], $0x2780, s6, s7, $0x38;
	[tilespmem:$0x9E80] =	vst v63  }
0x8d: {  	s20 =	sor.u32 s23, s20;
	_ =	swait.ge [sflag:s16], $0x2780  }
0x8e: {  	s20 =	sshrl.u32 s20, $0x3;
	[sflag:s16] =	ssyncset.done $0x0  }
0x8f: {  	s20 =	sadd.s32 s2, s20;
	[sflag:s16] =	ssyncadd.s32 $0xFFFFD880  }
0x90: {  	[tilespmem:s8], [sflag:$0x2] =	stream.strided.gather [hbm4b:s20+s7], $0x2780, s6, s7, $0x38;
	[tilespmem:$0x9E80] =	vst v63  }
0x91: {  	s25 =	sshrl.u32 s21, $0x3;
	s21 =	sshll.u32 s21, $0x7;
	_ =	swait.ge [sflag:s9], $0x2780  }
0x92: {  	s21 =	sand.u32 $0x380, s21;
	[sflag:s9] =	ssyncset.done $0x0  }
0x93: {  	s20 =	smul.u32 $0x13C00, s25;
	s24 =	rddreg [dreg:$0xf];
	[sflag:s9] =	ssyncadd.s32 $0xFFFFD880  }
0x94: {  	[hbm4b:s24+s7] =	stream.strided.scatter [tilespmem:s7], [sflag:$0x5], $0x2780, s6, s7, $0x38;
	[tilespmem:$0x9E80] =	vst v63  }
0x95: {  	s20 =	sor.u32 s21, s20;
	_ =	swait.ge [sflag:s17], $0x2780  }
0x96: {  	s20 =	sshrl.u32 s20, $0x3;
	[sflag:s17] =	ssyncset.done $0x0  }
0x97: {  	s19 =	ssub.s32 $0x2, s19;
	s20 =	sadd.s32 s2, s20;
	[sflag:s17] =	ssyncadd.s32 $0xFFFFD880  }
0x98: {  	[tilespmem:s10], [sflag:$0x3] =	stream.strided.gather [hbm4b:s20+s7], $0x2780, s6, s7, $0x38;
	[tilespmem:$0x9E80] =	vst v63  }
0x99: {  	s28 =	sshrl.u32 s22, $0x3;
	s29 =	sshll.u32 s22, $0x7;
	_ =	swait.ge [sflag:s11], $0x2780  }
0x9a: {  	s31 =	sshrl.u32 s19, $0x1;
	s21 =	sand.u32 $0x380, s29;
	[sflag:s11] =	ssyncset.done $0x0  }
0x9b: {  	s20 =	smul.u32 $0x13C00, s28;
	s26 =	rddreg [dreg:$0x10];
	[sflag:s11] =	ssyncadd.s32 $0xFFFFD880  }
0x9c: {  	[hbm4b:s26+s7] =	stream.strided.scatter [tilespmem:s8], [sflag:$0x6], $0x2780, s6, s7, $0x38;
	[tilespmem:$0x9E80] =	vst v63  }
0x9d: {  	s19 =	ssub.s32 s19, s31;
	s20 =	sor.u32 s21, s20;
	_ =	swait.ge [sflag:s18], $0x2780  }
0x9e: {  	s19 =	smax.u32 s19, $0x1;
	s20 =	sshrl.u32 s20, $0x3;
	[sflag:s18] =	ssyncset.done $0x0  }
0x9f: {  	p0 =	sne.s32 s19, $0x1;
	s20 =	sadd.s32 s2, s20;
	[sflag:s18] =	ssyncadd.s32 $0xFFFFD880  }
0xa0: {  	[tilespmem:s12], [sflag:$0x4] =	stream.strided.gather [hbm4b:s20+s7], $0x2780, s6, s7, $0x38;
	[tilespmem:$0x9E80] =	vst v63  }
.Ltmp0:
0xa1: {  	_ = 	snop;
	(pc) =	sbr.rel @!p0 .LBB2_2-.Ltmp0, $4  }
0xa2: {  	_ =	swait.ge [sflag:s13], $0x2780  }
0xa3: {  	[sflag:s13] =	ssyncset.done $0x0  }
0xa4: {  	s19 =	sadd.s32 $0xFFFFFFFF, s19;
	s30 =	rddreg [dreg:$0x11];
	[sflag:s13] =	ssyncadd.s32 $0xFFFFD880  }
0xa5: {  	[hbm4b:s30+s7] =	stream.strided.scatter [tilespmem:s10], [sflag:$0x7], $0x2780, s6, s7, $0x38;
	[tilespmem:$0x9E80] =	vst v63  }
.LBB2_1:
0xa6: {  	_ =	swait.ge [sflag:s15], $0x2780  }
0xa7: {  	[sflag:s15] =	ssyncset.done $0x0  }
0xa8: {  	s20 =	rddreg [dreg:$0x12];
	[sflag:s15] =	ssyncadd.s32 $0xFFFFD880  }
0xa9: {  	[hbm4b:s20+s7] =	stream.strided.scatter [tilespmem:s12], [sflag:$0x8], $0x2780, s6, s7, $0x38;
	[tilespmem:$0x9E80] =	vst v63  }
0xaa: {  	_ =	swait.ge [sflag:s17], $0x2780  }
0xab: {  	[sflag:s17] =	ssyncset.done $0x0  }
0xac: {  	[sflag:s17] =	ssyncadd.s32 $0xFFFFD880  }
0xad: {  	_ =	swait.ge [sflag:s18], $0x2780  }
0xae: {  	[sflag:s18] =	ssyncset.done $0x0  }
0xaf: {  	s29 =	rddreg [dreg:$0x3];
	[sflag:s18] =	ssyncadd.s32 $0xFFFFD880  }
0xb0: {  	[tilespmem:s3], [sflag:$0x9] =	stream.linear.gather [hbm4b:s29+s3], $0x80, $0x38;
	[tilespmem:$0x9E80] =	vst v63  }
0xb1: {  	_ =	swait.ge [sflag:s5], $0x80  }
0xb2: {  	[sflag:s5] =	ssyncset.done $0x0  }
0xb3: {  	[sflag:s5] =	ssyncadd.s32 $0xFFFFFF80  }
0xb4: {  	v0 =	vld [tilespmem:$0x0];
	_ =	sdelay $0x4  }
0xb5: {  	(v2sf) =	vpush v0, $0x1  }
0xb6: {  	(v2sf) =	vpush v0, $0x0;
	_ =	sdelay $0x1  }
0xb7: {  	(v2sf) =	vpush v0, $0x3;
	_ =	sdelay $0x1  }
0xb8: {  	(v2sf) =	vpush v0, $0x4  }
0xb9: {  	(v2sf) =	vpush v0, $0x2;
	_ =	sdelay $0x2  }
0xba: {  	(v2sf) =	vpush v0, $0x6;
	_ =	sdelay $0x2  }
0xbb: {  	(v2sf) =	vpush v0, $0x5;
	_ =	sdelay $0x2  }
0xbc: {  	s30 =	spop (v2sf)  }
0xbd: {  	s21 =	sshrl.u32 s30, $0x3;
	s20 =	sshll.u32 s30, $0x7;
	s22 =	spop (v2sf)  }
0xbe: {  	s23 =	sshrl.u32 s22, $0x3;
	s21 =	smul.u32 $0x13C00, s21;
	s20 =	sand.u32 $0x380, s20  }
0xbf: {  	s22 =	sshll.u32 s22, $0x7;
	s24 =	spop (v2sf);
	s23 =	smul.u32 $0x13C00, s23  }
0xc0: {  	s22 =	sand.u32 $0x380, s22;
	s28 =	sshrl.u32 s24, $0x3;
	s24 =	sshll.u32 s24, $0x7  }
0xc1: {  	s20 =	sor.u32 s20, s21;
	s21 =	spop (v2sf);
	s30 =	sand.u32 $0x380, s24  }
0xc2: {  	s22 =	sor.u32 s22, s23;
	s20 =	sshrl.u32 s20, $0x3;
	s31 =	spop (v2sf)  }
0xc3: {  	s29 =	sshll.u32 s21, $0x7;
	s21 =	sshrl.u32 s21, $0x3;
	s22 =	sshrl.u32 s22, $0x3  }
0xc4: {  	(v2sf) =	vpush v0, $0xA;
	s25 =	sshrl.u32 s31, $0x3;
	s23 =	sshll.u32 s31, $0x7;
	s20 =	sadd.s32 s2, s20  }
0xc5: {  	s26 =	spop (v2sf);
	s21 =	smul.u32 $0x13C00, s21;
	s29 =	sand.u32 $0x380, s29  }
0xc6: {  	(v2sf) =	vpush v0, $0x7;
	s22 =	sadd.s32 s2, s22;
	s25 =	smul.u32 $0x13C00, s25;
	s23 =	sand.u32 $0x380, s23  }
0xc7: {  	[tilespmem:s7], [sflag:$0x1] =	stream.strided.gather [hbm4b:s22+s7], $0x2780, s6, s7, $0x38;
	[tilespmem:$0x9E80] =	vst v63  }
0xc8: {  	s25 =	sor.u32 s23, s25;
	s23 =	smul.u32 $0x13C00, s28;
	s28 =	spop (v2sf)  }
0xc9: {  	[tilespmem:s8], [sflag:$0x2] =	stream.strided.gather [hbm4b:s20+s7], $0x2780, s6, s7, $0x38;
	[tilespmem:$0x9E80] =	vst v63  }
0xca: {  	s22 =	sshrl.u32 s25, $0x3;
	s31 =	sshrl.u32 s28, $0x3;
	s28 =	sshll.u32 s28, $0x7  }
0xcb: {  	_ =	swait.ge [sflag:s9], $0x2780;
	s22 =	sadd.s32 s2, s22;
	s20 =	sor.u32 s30, s23  }
0xcc: {  	s24 =	smul.u32 $0x13C00, s31;
	s30 =	sor.u32 s29, s21;
	(v2sf) =	vpush v0, $0x9;
	[sflag:s9] =	ssyncset.done $0x0  }
0xcd: {  	s31 =	sand.u32 $0x380, s28;
	s21 =	sshrl.u32 s26, $0x3;
	[sflag:s9] =	ssyncadd.s32 $0xFFFFD880  }
0xce: {  	[hbm4b:s4+s7] =	stream.strided.scatter [tilespmem:s7], [sflag:$0x5], $0x2780, s6, s7, $0x38;
	[tilespmem:$0x9E80] =	vst v63  }
0xcf: {  	s25 =	sshrl.u32 s20, $0x3;
	s28 =	sshrl.u32 s30, $0x3;
	s21 =	smul.u32 $0x13C00, s21  }
0xd0: {  	(v2sf) =	vpush v0, $0xB;
	[tilespmem:s10], [sflag:$0x3] =	stream.strided.gather [hbm4b:s22+s7], $0x2780, s6, s7, $0x38;
	[tilespmem:$0x9E80] =	vst v63  }
0xd1: {  	s23 =	sor.u32 s31, s24;
	s31 =	sshll.u32 s26, $0x7;
	_ =	swait.ge [sflag:s11], $0x2780  }
0xd2: {  	s25 =	sadd.s32 s2, s25;
	s22 =	sshrl.u32 s23, $0x3;
	[sflag:s11] =	ssyncset.done $0x0  }
0xd3: {  	s24 =	rddreg [dreg:$0x4];
	[sflag:s11] =	ssyncadd.s32 $0xFFFFD880;
	s20 =	spop (v2sf)  }
0xd4: {  	[hbm4b:s24+s7] =	stream.strided.scatter [tilespmem:s8], [sflag:$0x6], $0x2780, s6, s7, $0x38;
	[tilespmem:$0x9E80] =	vst v63  }
0xd5: {  	s22 =	sadd.s32 s2, s22;
	s24 =	sand.u32 $0x380, s31;
	s30 =	spop (v2sf)  }
0xd6: {  	(v2sf) =	vpush v0, $0x8;
	[tilespmem:s12], [sflag:$0x4] =	stream.strided.gather [hbm4b:s25+s7], $0x2780, s6, s7, $0x38;
	[tilespmem:$0x9E80] =	vst v63  }
0xd7: {  	s21 =	sor.u32 s24, s21;
	s29 =	sshrl.u32 s30, $0x3;
	_ =	swait.ge [sflag:s13], $0x2780  }
0xd8: {  	s26 =	sshll.u32 s30, $0x7;
	s29 =	smul.u32 $0x13C00, s29;
	[sflag:s13] =	ssyncset.done $0x0  }
0xd9: {  	s31 =	sand.u32 $0x380, s26;
	s30 =	rddreg [dreg:$0x5];
	[sflag:s13] =	ssyncadd.s32 $0xFFFFD880  }
0xda: {  	[hbm4b:s30+s7] =	stream.strided.scatter [tilespmem:s10], [sflag:$0x7], $0x2780, s6, s7, $0x38;
	[tilespmem:$0x9E80] =	vst v63  }
0xdb: {  	s24 =	sshrl.u32 s21, $0x3;
	s23 =	sor.u32 s31, s29;
	s26 =	spop (v2sf)  }
0xdc: {  	s24 =	sadd.s32 s2, s24;
	s23 =	sshrl.u32 s23, $0x3;
	(v2sf) =	vpush v0, $0xC;
	s31 =	sshrl.u32 s26, $0x3  }
0xdd: {  	s25 =	sshll.u32 s26, $0x7;
	_ =	swait.ge [sflag:s14], $0x2780;
	s29 =	smul.u32 $0x13C00, s31  }
0xde: {  	s25 =	sand.u32 $0x380, s25;
	[sflag:s14] =	ssyncset.done $0x0;
	s31 =	sadd.s32 s2, s28  }
0xdf: {  	(v2sf) =	vpush v0, $0xD;
	[sflag:s14] =	ssyncadd.s32 $0xFFFFD880;
	s30 =	sor.u32 s25, s29;
	s25 =	spop (v2sf)  }
0xe0: {  	[tilespmem:s7], [sflag:$0x1] =	stream.strided.gather [hbm4b:s31+s7], $0x2780, s6, s7, $0x38;
	[tilespmem:$0x9E80] =	vst v63  }
0xe1: {  	s23 =	sadd.s32 s2, s23;
	s21 =	sshrl.u32 s30, $0x3;
	_ =	swait.ge [sflag:s15], $0x2780  }
0xe2: {  	s29 =	sshrl.u32 s25, $0x3;
	s25 =	sshll.u32 s25, $0x7;
	(v2sf) =	vpush v0, $0xE;
	[sflag:s15] =	ssyncset.done $0x0  }
0xe3: {  	s30 =	smul.u32 $0x13C00, s29;
	s28 =	rddreg [dreg:$0x6];
	[sflag:s15] =	ssyncadd.s32 $0xFFFFD880  }
0xe4: {  	[hbm4b:s28+s7] =	stream.strided.scatter [tilespmem:s12], [sflag:$0x8], $0x2780, s6, s7, $0x38;
	[tilespmem:$0x9E80] =	vst v63  }
0xe5: {  	s31 =	sshrl.u32 s20, $0x3;
	s25 =	sand.u32 $0x380, s25;
	_ =	swait.ge [sflag:s16], $0x2780  }
0xe6: {  	s29 =	smul.u32 $0x13C00, s31;
	s25 =	sor.u32 s25, s30;
	[sflag:s16] =	ssyncset.done $0x0  }
0xe7: {  	s30 =	sshll.u32 s20, $0x7;
	s26 =	spop (v2sf);
	[sflag:s16] =	ssyncadd.s32 $0xFFFFD880  }
0xe8: {  	[tilespmem:s8], [sflag:$0x2] =	stream.strided.gather [hbm4b:s22+s7], $0x2780, s6, s7, $0x38;
	[tilespmem:$0x9E80] =	vst v63  }
0xe9: {  	s20 =	sshrl.u32 s25, $0x3;
	s31 =	sand.u32 $0x380, s30;
	_ =	swait.ge [sflag:s9], $0x2780  }
0xea: {  	s25 =	sor.u32 s31, s29;
	s30 =	sshrl.u32 s26, $0x3;
	s26 =	sshll.u32 s26, $0x7;
	(v2sf) =	vpush v0, $0xF  }
0xeb: {  	s31 =	smul.u32 $0x13C00, s30;
	s26 =	sand.u32 $0x380, s26;
	[sflag:s9] =	ssyncset.done $0x0  }
0xec: {  	s28 =	rddreg [dreg:$0x7];
	s29 =	spop (v2sf);
	[sflag:s9] =	ssyncadd.s32 $0xFFFFD880  }
0xed: {  	[hbm4b:s28+s7] =	stream.strided.scatter [tilespmem:s7], [sflag:$0x5], $0x2780, s6, s7, $0x38;
	[tilespmem:$0x9E80] =	vst v63  }
0xee: {  	s22 =	sor.u32 s26, s31;
	s30 =	sshll.u32 s29, $0x7;
	s26 =	spop (v2sf)  }
0xef: {  	s28 =	sshrl.u32 s22, $0x3;
	s29 =	sshrl.u32 s29, $0x3;
	_ =	swait.ge [sflag:s17], $0x2780  }
0xf0: {  	s31 =	sshrl.u32 s26, $0x3;
	s26 =	sshll.u32 s26, $0x7;
	[sflag:s17] =	ssyncset.done $0x0  }
0xf1: {  	s22 =	smul.u32 $0x13C00, s31;
	[sflag:s17] =	ssyncadd.s32 $0xFFFFD880;
	s31 =	spop (v2sf)  }
0xf2: {  	[tilespmem:s10], [sflag:$0x3] =	stream.strided.gather [hbm4b:s24+s7], $0x2780, s6, s7, $0x38;
	[tilespmem:$0x9E80] =	vst v63  }
0xf3: {  	s26 =	sand.u32 $0x380, s26;
	s24 =	smul.u32 $0x13C00, s29;
	_ =	swait.ge [sflag:s11], $0x2780  }
0xf4: {  	s30 =	sand.u32 $0x380, s30;
	s22 =	sor.u32 s26, s22;
	[sflag:s11] =	ssyncset.done $0x0  }
0xf5: {  	s29 =	rddreg [dreg:$0x8];
	s24 =	sor.u32 s30, s24;
	[sflag:s11] =	ssyncadd.s32 $0xFFFFD880  }
0xf6: {  	[hbm4b:s29+s7] =	stream.strided.scatter [tilespmem:s8], [sflag:$0x6], $0x2780, s6, s7, $0x38;
	[tilespmem:$0x9E80] =	vst v63  }
0xf7: {  	s30 =	sshrl.u32 s31, $0x3;
	s26 =	sshrl.u32 s24, $0x3;
	_ =	swait.ge [sflag:s18], $0x2780  }
0xf8: {  	s24 =	smul.u32 $0x13C00, s30;
	s30 =	sshll.u32 s31, $0x7;
	[sflag:s18] =	ssyncset.done $0x0  }
0xf9: {  	s29 =	sand.u32 $0x380, s30;
	[sflag:s18] =	ssyncadd.s32 $0xFFFFD880;
	s30 =	spop (v2sf)  }
0xfa: {  	[tilespmem:s12], [sflag:$0x4] =	stream.strided.gather [hbm4b:s23+s7], $0x2780, s6, s7, $0x38;
	[tilespmem:$0x9E80] =	vst v63  }
0xfb: {  	_ =	swait.ge [sflag:s13], $0x2780  }
0xfc: {  	[sflag:s13] =	ssyncset.done $0x0  }
0xfd: {  	s31 =	rddreg [dreg:$0x9];
	[sflag:s13] =	ssyncadd.s32 $0xFFFFD880  }
0xfe: {  	[hbm4b:s31+s7] =	stream.strided.scatter [tilespmem:s10], [sflag:$0x7], $0x2780, s6, s7, $0x38;
	[tilespmem:$0x9E80] =	vst v63  }
0xff: {  	_ =	swait.ge [sflag:s14], $0x2780  }
0x100: {  	[sflag:s14] =	ssyncset.done $0x0  }
0x101: {  	s28 =	sadd.s32 s2, s28;
	s23 =	sshrl.u32 s30, $0x3;
	[sflag:s14] =	ssyncadd.s32 $0xFFFFD880  }
0x102: {  	[tilespmem:s7], [sflag:$0x1] =	stream.strided.gather [hbm4b:s28+s7], $0x2780, s6, s7, $0x38;
	[tilespmem:$0x9E80] =	vst v63  }
0x103: {  	s30 =	sshll.u32 s30, $0x7;
	s23 =	smul.u32 $0x13C00, s23;
	_ =	swait.ge [sflag:s15], $0x2780  }
0x104: {  	s30 =	sand.u32 $0x380, s30;
	[sflag:s15] =	ssyncset.done $0x0  }
0x105: {  	s23 =	sor.u32 s30, s23;
	s30 =	rddreg [dreg:$0xa];
	[sflag:s15] =	ssyncadd.s32 $0xFFFFD880  }
0x106: {  	[hbm4b:s30+s7] =	stream.strided.scatter [tilespmem:s12], [sflag:$0x8], $0x2780, s6, s7, $0x38;
	[tilespmem:$0x9E80] =	vst v63  }
0x107: {  	_ =	swait.ge [sflag:s16], $0x2780  }
0x108: {  	[sflag:s16] =	ssyncset.done $0x0  }
0x109: {  	s21 =	sadd.s32 s2, s21;
	[sflag:s16] =	ssyncadd.s32 $0xFFFFD880  }
0x10a: {  	[tilespmem:s8], [sflag:$0x2] =	stream.strided.gather [hbm4b:s21+s7], $0x2780, s6, s7, $0x38;
	[tilespmem:$0x9E80] =	vst v63  }
0x10b: {  	_ =	swait.ge [sflag:s9], $0x2780  }
0x10c: {  	[sflag:s9] =	ssyncset.done $0x0  }
0x10d: {  	s31 =	rddreg [dreg:$0xb];
	[sflag:s9] =	ssyncadd.s32 $0xFFFFD880  }
0x10e: {  	[hbm4b:s31+s7] =	stream.strided.scatter [tilespmem:s7], [sflag:$0x5], $0x2780, s6, s7, $0x38;
	[tilespmem:$0x9E80] =	vst v63  }
0x10f: {  	_ =	swait.ge [sflag:s17], $0x2780  }
0x110: {  	s25 =	sshrl.u32 s25, $0x3;
	[sflag:s17] =	ssyncset.done $0x0  }
0x111: {  	s28 =	sadd.s32 s2, s25;
	[sflag:s17] =	ssyncadd.s32 $0xFFFFD880  }
0x112: {  	[tilespmem:s10], [sflag:$0x3] =	stream.strided.gather [hbm4b:s28+s7], $0x2780, s6, s7, $0x38;
	[tilespmem:$0x9E80] =	vst v63  }
0x113: {  	_ =	swait.ge [sflag:s11], $0x2780  }
0x114: {  	[sflag:s11] =	ssyncset.done $0x0  }
0x115: {  	s24 =	sor.u32 s29, s24;
	s29 =	rddreg [dreg:$0xc];
	[sflag:s11] =	ssyncadd.s32 $0xFFFFD880  }
0x116: {  	[hbm4b:s29+s7] =	stream.strided.scatter [tilespmem:s8], [sflag:$0x6], $0x2780, s6, s7, $0x38;
	[tilespmem:$0x9E80] =	vst v63  }
0x117: {  	_ =	swait.ge [sflag:s18], $0x2780  }
0x118: {  	[sflag:s18] =	ssyncset.done $0x0  }
0x119: {  	s20 =	sadd.s32 s2, s20;
	[sflag:s18] =	ssyncadd.s32 $0xFFFFD880  }
0x11a: {  	[tilespmem:s12], [sflag:$0x4] =	stream.strided.gather [hbm4b:s20+s7], $0x2780, s6, s7, $0x38;
	[tilespmem:$0x9E80] =	vst v63  }
0x11b: {  	_ =	swait.ge [sflag:s13], $0x2780  }
0x11c: {  	[sflag:s13] =	ssyncset.done $0x0  }
0x11d: {  	s30 =	rddreg [dreg:$0xd];
	[sflag:s13] =	ssyncadd.s32 $0xFFFFD880  }
0x11e: {  	[hbm4b:s30+s7] =	stream.strided.scatter [tilespmem:s10], [sflag:$0x7], $0x2780, s6, s7, $0x38;
	[tilespmem:$0x9E80] =	vst v63  }
0x11f: {  	_ =	swait.ge [sflag:s14], $0x2780  }
0x120: {  	[sflag:s14] =	ssyncset.done $0x0  }
0x121: {  	s31 =	sadd.s32 s2, s26;
	[sflag:s14] =	ssyncadd.s32 $0xFFFFD880  }
0x122: {  	[tilespmem:s7], [sflag:$0x1] =	stream.strided.gather [hbm4b:s31+s7], $0x2780, s6, s7, $0x38;
	[tilespmem:$0x9E80] =	vst v63  }
0x123: {  	_ =	swait.ge [sflag:s15], $0x2780  }
0x124: {  	[sflag:s15] =	ssyncset.done $0x0  }
0x125: {  	s21 =	rddreg [dreg:$0xe];
	[sflag:s15] =	ssyncadd.s32 $0xFFFFD880  }
0x126: {  	[hbm4b:s21+s7] =	stream.strided.scatter [tilespmem:s12], [sflag:$0x8], $0x2780, s6, s7, $0x38;
	[tilespmem:$0x9E80] =	vst v63  }
0x127: {  	_ =	swait.ge [sflag:s16], $0x2780  }
0x128: {  	s22 =	sshrl.u32 s22, $0x3;
	[sflag:s16] =	ssyncset.done $0x0  }
0x129: {  	s25 =	sadd.s32 s2, s22;
	[sflag:s16] =	ssyncadd.s32 $0xFFFFD880  }
0x12a: {  	[tilespmem:s8], [sflag:$0x2] =	stream.strided.gather [hbm4b:s25+s7], $0x2780, s6, s7, $0x38;
	[tilespmem:$0x9E80] =	vst v63  }
0x12b: {  	_ =	swait.ge [sflag:s9], $0x2780  }
0x12c: {  	[sflag:s9] =	ssyncset.done $0x0  }
0x12d: {  	s26 =	rddreg [dreg:$0xf];
	[sflag:s9] =	ssyncadd.s32 $0xFFFFD880  }
0x12e: {  	[hbm4b:s26+s7] =	stream.strided.scatter [tilespmem:s7], [sflag:$0x5], $0x2780, s6, s7, $0x38;
	[tilespmem:$0x9E80] =	vst v63  }
0x12f: {  	_ =	swait.ge [sflag:s17], $0x2780  }
0x130: {  	s24 =	sshrl.u32 s24, $0x3;
	[sflag:s17] =	ssyncset.done $0x0  }
0x131: {  	s28 =	sadd.s32 s2, s24;
	[sflag:s17] =	ssyncadd.s32 $0xFFFFD880  }
0x132: {  	[tilespmem:s10], [sflag:$0x3] =	stream.strided.gather [hbm4b:s28+s7], $0x2780, s6, s7, $0x38;
	[tilespmem:$0x9E80] =	vst v63  }
0x133: {  	_ =	swait.ge [sflag:s11], $0x2780  }
0x134: {  	[sflag:s11] =	ssyncset.done $0x0  }
0x135: {  	s29 =	rddreg [dreg:$0x10];
	[sflag:s11] =	ssyncadd.s32 $0xFFFFD880  }
0x136: {  	[hbm4b:s29+s7] =	stream.strided.scatter [tilespmem:s8], [sflag:$0x6], $0x2780, s6, s7, $0x38;
	[tilespmem:$0x9E80] =	vst v63  }
0x137: {  	_ =	swait.ge [sflag:s18], $0x2780  }
0x138: {  	s23 =	sshrl.u32 s23, $0x3;
	[sflag:s18] =	ssyncset.done $0x0  }
0x139: {  	p0 =	sne.s32 s19, $0x1;
	s30 =	sadd.s32 s2, s23;
	[sflag:s18] =	ssyncadd.s32 $0xFFFFD880  }
0x13a: {  	[tilespmem:s12], [sflag:$0x4] =	stream.strided.gather [hbm4b:s30+s7], $0x2780, s6, s7, $0x38;
	[tilespmem:$0x9E80] =	vst v63  }
.Ltmp1:
0x13b: {  	_ = 	snop;
	(pc) =	sbr.rel @p0 .LBB2_1-.Ltmp1, $4  }
0x13c: {  	_ =	swait.ge [sflag:s13], $0x2780  }
0x13d: {  	[sflag:s13] =	ssyncset.done $0x0  }
0x13e: {  	s19 =	sadd.s32 $0xFFFFFFFF, s19;
	s31 =	rddreg [dreg:$0x11];
	[sflag:s13] =	ssyncadd.s32 $0xFFFFD880  }
0x13f: {  	[hbm4b:s31+s7] =	stream.strided.scatter [tilespmem:s10], [sflag:$0x7], $0x2780, s6, s7, $0x38;
	[tilespmem:$0x9E80] =	vst v63  }
.LBB2_2:
0x140: {  	_ =	swait.ge [sflag:s15], $0x2780  }
0x141: {  	[sflag:s15] =	ssyncset.done $0x0  }
0x142: {  	s2 =	rddreg [dreg:$0x12];
	[sflag:s15] =	ssyncadd.s32 $0xFFFFD880  }
0x143: {  	[hbm4b:s2+s7] =	stream.strided.scatter [tilespmem:s12], [sflag:$0x8], $0x2780, s6, s7, $0x38;
	[tilespmem:$0x9E80] =	vst v63  }
0x144: {  	_ =	swait.ge [sflag:s17], $0x2780  }
0x145: {  	[sflag:s17] =	ssyncset.done $0x0  }
0x146: {  	[sflag:s17] =	ssyncadd.s32 $0xFFFFD880  }
0x147: {  	_ =	swait.ge [sflag:s18], $0x2780  }
0x148: {  	[sflag:s18] =	ssyncset.done $0x0  }
0x149: {  	[sflag:s18] =	ssyncadd.s32 $0xFFFFD880  }
0x14a: {  	_ =	sfence.sel $0x180000  }
0x14b: {  	[bflag:$0x0] =	sbarrier.arrive $0xFFFF  }
0x14c: {  	p0 =	sne.s32 s0, $0x0;
	_ =	strace $0x9000004A  }
0x14d: {  	s0 =	sadd.s32 @!p0 $0x100000, s1;
	[bflag:$0x2] =	sbarrier.arrive $0xFFFF  }
0x14e: {  	[sflag:s0] =	ssyncadd.tile.s32 @!p0 $0x1;
	_ =	shalt  }
.Lfunc_end2:
_tile_overlayer_lowered:
.L_overlay_start_2:
0x14f: {  	(tag) =	ssettag $0x2  }
0x150: {  	s0 =	rddreg [dreg:$0x0];
	s2 =	stileid.u32  }
0x151: {  	s1 =	rddreg [dreg:$0x1];
	p0 =	sne.s32 s2, $0x0  }
0x152: {  	s3 =	rddreg [dreg:$0x2];
	[bflag:$0x3] =	sbarrier.arrive $0xFFFF;
	s2 =	simm.s32 @!p0 $0x1C09  }
0x153: {  	[timem:s3], [sflag:s2] =	dma.local @!p0 [hbm:s0], s1  }
0x154: {  	s0 =	simm.s32 @!p0 $0x9  }
0x155: {  	_ =	swait.ge @!p0 [sflag:s0], s1  }
0x156: {  	s1 =	ssub.s32 @!p0 $0x0, s1;
	[sflag:s0] =	ssyncset.done @!p0 $0x0  }
0x157: {  	[sflag:s0] =	ssyncadd.s32 @!p0 s1  }
0x158: {  	[bflag:$0x3] =	sbarrier.arrive $0xFFFF  }
0x159: {  	_ =	shalt  }

</sc_bundles>
